<compile_context>
chip_gen: v7x
topology: tpu7x:2x2x1
jax: 0.10.2.dev20260603
libtpu: 0.0.44.dev20260713+nightly
codegen_flags: <defaults>
</compile_context>

<pallas_src>
import functools

import jax
import jax.numpy as jnp
from jax import lax
from jax.experimental import pallas as pl
from jax.experimental.pallas import tpu as pltpu
from jax.experimental.pallas import tpu_sc as plsc

_B = 2
_N = 40000
_DIM = 768
_G = 256
_M = 64

_SUB = 8
_LANES = _N // _SUB

_NC = 2
_NS = 16
_NW = _NC * _NS
_GPW = (_B * _G) // _NW


def _fps_body(xr_ref, ctr_ref):
    x = xr_ref[0, 0]
    y = xr_ref[0, 1]
    z = xr_ref[0, 2]
    r_iota = lax.broadcasted_iota(jnp.int32, (_SUB, _LANES), 0)
    c_iota = lax.broadcasted_iota(jnp.int32, (_SUB, _LANES), 1)
    flat = r_iota * _LANES + c_iota

    def body(i, carry):
        dist_run, far = carry
        mask = flat == far
        cx = jnp.sum(jnp.where(mask, x, 0.0))
        cy = jnp.sum(jnp.where(mask, y, 0.0))
        cz = jnp.sum(jnp.where(mask, z, 0.0))
        ctr_ref[0, pl.ds(i, 1), :] = jnp.concatenate(
            [cx.reshape(1, 1), cy.reshape(1, 1), cz.reshape(1, 1)], axis=1)
        d = (x - cx) ** 2 + (y - cy) ** 2 + (z - cz) ** 2
        dist_run = jnp.minimum(dist_run, d)
        m = jnp.max(dist_run)
        far2 = jnp.min(jnp.where(dist_run == m, flat, jnp.int32(2 ** 30)))
        return dist_run, far2

    lax.fori_loop(0, _G, body,
                  (jnp.full((_SUB, _LANES), 1e10, jnp.float32), jnp.int32(0)))


def _fps(xr):
    return pl.pallas_call(
        _fps_body,
        grid=(_B,),
        in_specs=[pl.BlockSpec((1, 3, _SUB, _LANES), lambda b: (b, 0, 0, 0))],
        out_specs=pl.BlockSpec((1, _G, 3), lambda b: (b, 0, 0)),
        out_shape=jax.ShapeDtypeStruct((_B, _G, 3), jnp.float32),
    )(xr)


_KG = 32
_GBK = _G // _KG
_NP = 40960


def _knn_body(xf_ref, ctr_ref, idx_ref, d_ref):
    x = xf_ref[0, 0:1, :]
    y = xf_ref[0, 1:2, :]
    z = xf_ref[0, 2:3, :]
    cx = ctr_ref[0, :, 0:1]
    cy = ctr_ref[0, :, 1:2]
    cz = ctr_ref[0, :, 2:3]
    xs = x * x + y * y + z * z
    cs = cx * cx + cy * cy + cz * cz
    xb = x.astype(jnp.bfloat16).astype(jnp.float32)
    yb = y.astype(jnp.bfloat16).astype(jnp.float32)
    zb = z.astype(jnp.bfloat16).astype(jnp.float32)
    cxb = cx.astype(jnp.bfloat16).astype(jnp.float32)
    cyb = cy.astype(jnp.bfloat16).astype(jnp.float32)
    czb = cz.astype(jnp.bfloat16).astype(jnp.float32)
    lane = lax.broadcasted_iota(jnp.int32, (_KG, _NP), 1)
    d2 = cs - 2.0 * (cxb * xb + cyb * yb + czb * zb) + xs
    d_ref[...] = jnp.where(lane < _N, d2, jnp.inf)
    col = lax.broadcasted_iota(jnp.int32, (_KG, _M), 1)

    def body(j, acc):
        d = d_ref[...]
        m = jnp.min(d, axis=1, keepdims=True)
        sel = jnp.where(d == m, lane, jnp.int32(2 ** 30))
        idx8 = jnp.min(sel, axis=1, keepdims=True)
        d_ref[...] = jnp.where(lane == idx8, jnp.inf, d)
        return jnp.where(col == j, idx8, acc)

    acc = lax.fori_loop(0, _M, body,
                        jnp.zeros((_KG, _M), jnp.int32))
    idx_ref[0, 0] = acc


def _knn(xf, center):
    return pl.pallas_call(
        _knn_body,
        grid=(_B, _GBK),
        in_specs=[
            pl.BlockSpec((1, 3, _NP), lambda b, g: (b, 0, 0)),
            pl.BlockSpec((1, _KG, 3), lambda b, g: (b, g, 0)),
        ],
        out_specs=pl.BlockSpec((1, 1, _KG, _M), lambda b, g: (b, g, 0, 0)),
        out_shape=jax.ShapeDtypeStruct((_B, _GBK, _KG, _M), jnp.int32),
        scratch_shapes=[pltpu.VMEM((_KG, _NP), jnp.float32)],
    )(xf, center)


_DCH = _DIM // 16


def _sc_body(feat_hbm, xyzp_hbm, idx_hbm, ctrp_hbm, fts_out, nxyz_out,
             idx_v, rows_v, xrows_v, ctr_v, acc_v, sem1, sem2):
    wid = lax.axis_index("s") * _NC + lax.axis_index("c")
    base = wid * _GPW

    def group_body(gl, _):
        g = pl.multiple_of(base + gl, 1)
        o64 = pl.multiple_of(g * _M, 8)
        pltpu.sync_copy(idx_hbm.at[pl.ds(o64, _M)], idx_v)
        pltpu.async_copy(feat_hbm.at[idx_v], rows_v, sem1)
        pltpu.async_copy(xyzp_hbm.at[idx_v], xrows_v, sem2)
        pltpu.sync_copy(ctrp_hbm.at[g], ctr_v)
        pltpu.make_async_copy(feat_hbm.at[idx_v], rows_v, sem1).wait()

        def red_body(mi, accs):
            return tuple(
                accs[dc] + rows_v[mi, pl.ds(dc * 16, 16)]
                for dc in range(_DCH))

        accs = lax.fori_loop(
            0, _M, red_body,
            tuple(jnp.zeros((16,), jnp.float32) for _ in range(_DCH)))
        for dc in range(_DCH):
            acc_v[pl.ds(dc * 16, 16)] = accs[dc] * (1.0 / _M)
        pltpu.sync_copy(acc_v, fts_out.at[g])

        pltpu.make_async_copy(xyzp_hbm.at[idx_v], xrows_v, sem2).wait()
        cvec = ctr_v[...]

        def sub_body(mi, _c):
            xrows_v[mi, 0:16] = xrows_v[mi, 0:16] - cvec
            return 0

        lax.fori_loop(0, _M, sub_body, 0)
        pltpu.sync_copy(xrows_v, nxyz_out.at[pl.ds(o64, _M)])
        return 0

    lax.fori_loop(0, _GPW, group_body, 0)


def _sc_gather_mean(feat_tab, xyzp_tab, flat_idx, ctrp):
    mesh = plsc.VectorSubcoreMesh(core_axis_name="c", subcore_axis_name="s")
    return pl.kernel(
        _sc_body,
        mesh=mesh,
        out_type=[
            jax.ShapeDtypeStruct((_B * _G, _DIM), jnp.float32),
            jax.ShapeDtypeStruct((_B * _G * _M, 128), jnp.float32),
        ],
        scratch_types=[
            pltpu.VMEM((_M,), jnp.int32),
            pltpu.VMEM((_M, _DIM), jnp.float32),
            pltpu.VMEM((_M, 128), jnp.float32),
            pltpu.VMEM((16,), jnp.float32),
            pltpu.VMEM((_DIM,), jnp.float32),
            pltpu.SemaphoreType.DMA,
            pltpu.SemaphoreType.DMA,
        ],
    )(feat_tab, xyzp_tab, flat_idx, ctrp)


def kernel(xyzs, pointcloud_features, level):
    Bb, Nn, dim = pointcloud_features.shape
    xt = jnp.transpose(xyzs, (0, 2, 1))
    xr = xt.reshape(Bb, 3, _SUB, _LANES)
    center = _fps(xr)
    xtp = jnp.pad(xt, ((0, 0), (0, 0), (0, _NP - _N)),
                  constant_values=1e6)
    idx4 = _knn(xtp, center)
    idx = idx4.reshape(Bb, _G, _M)
    flat_idx = (idx + (jnp.arange(Bb, dtype=jnp.int32) * Nn)[:, None, None])
    flat_idx = flat_idx.reshape(-1).astype(jnp.int32)
    _USE_SC = True
    if _USE_SC:
        feat_tab = pointcloud_features.reshape(Bb * Nn, dim)
        xyzp_tab = jnp.pad(xyzs, ((0, 0), (0, 0), (0, 125))).reshape(Bb * Nn, 128)
        ctrp = jnp.pad(center, ((0, 0), (0, 0), (0, 13))).reshape(Bb * _G, 16)
        fts, nxyzp = _sc_gather_mean(feat_tab, xyzp_tab, flat_idx, ctrp)
        all_fts = fts.reshape(Bb, _G, dim)
        nxyz = nxyzp[:, :3].reshape(Bb, _G, _M, 3)
    else:
        bidx2 = jnp.arange(Bb)[:, None, None]
        all_fts = pointcloud_features[bidx2, idx].mean(-2)
        nxyz = xyzs[bidx2, idx] - center[:, :, None, :]
    all_fts_mask = jnp.ones((Bb, _G), dtype=pointcloud_features.dtype)
    return all_fts, all_fts_mask, center, nxyz

# --- scband reference (transcript-rebuilt; emitter-appended) ---
"""Pipeline reference for scband-openscene-encoder-18021682774450 (READ-ONLY COPY).

The authoritative reference and input builder live on the scoring server;
editing this copy changes nothing except your own understanding.
"""

import jax, jax.numpy as jnp
import numpy as np

B = 2
N = 40000
DIM = 768
NUM_GROUP = 256
GROUP_SIZE = 64
N_POINTS = 40000


def fps(xyz, n_samples):
    # farthest point sampling; xyz: (B, N, 3) -> (B, n_samples) int32 indices
    Bb, Nn, _ = xyz.shape
    centroids = jnp.zeros((Bb, n_samples), dtype=jnp.int32)
    distance = jnp.full((Bb, Nn), 1e10, dtype=xyz.dtype)
    farthest = jnp.zeros((Bb,), dtype=jnp.int32)

    def body(i, carry):
        centroids, distance, farthest = carry
        centroids = centroids.at[:, i].set(farthest)
        centroid = xyz[jnp.arange(Bb), farthest][:, None, :]  # (B, 1, 3)
        dist = jnp.sum((xyz - centroid) ** 2, axis=-1)  # (B, N)
        distance = jnp.minimum(distance, dist)
        farthest = jnp.argmax(distance, axis=-1).astype(jnp.int32)
        return centroids, distance, farthest

    centroids, _, _ = jax.lax.fori_loop(0, n_samples, body, (centroids, distance, farthest))
    return centroids


def group(points, num_group, group_size):
    # points: (B, N, 3 + C). Point-BERT style Group: FPS centers on xyz, KNN grouping,
    # gather full (xyz + feature) neighborhoods, center-normalize the xyz channels.
    xyz = points[..., :3]
    Bb = points.shape[0]
    fps_idx = fps(jax.lax.stop_gradient(xyz), num_group)  # (B, G)
    bidx = jnp.arange(Bb)[:, None]
    center = xyz[bidx, fps_idx]  # (B, G, 3)
    # squared euclidean distances center->all points: (B, G, N)
    d2 = (jnp.sum(center ** 2, axis=-1)[:, :, None]
          - 2.0 * jnp.einsum('bgc,bnc->bgn', center, xyz)
          + jnp.sum(xyz ** 2, axis=-1)[:, None, :])
    _, idx = jax.lax.top_k(-jax.lax.stop_gradient(d2), group_size)  # (B, G, M) KNN indices
    bidx2 = jnp.arange(Bb)[:, None, None]
    neighborhood = points[bidx2, idx]  # (B, G, M, 3 + C)
    nxyz = neighborhood[..., :3] - center[:, :, None, :]
    neighborhood = jnp.concatenate([nxyz, neighborhood[..., 3:]], axis=-1)
    return neighborhood, center


def setup_inputs(seed: int = 0) -> dict:
    key = jax.random.key(seed)
    k1, k2 = jax.random.split(key)
    xyzs = jax.random.uniform(k1, (B, N, 3), dtype=jnp.float32) * 10.0
    pointcloud_features = jax.random.normal(k2, (B, N, DIM), dtype=jnp.float32)
    # level is a list of strings in the torch module; all entries are 'scene' here,
    # represented by the batch-size int (the reference closes over the all-scene case).
    return {"xyzs": xyzs, "pointcloud_features": pointcloud_features, "level": B}


def reference(xyzs, pointcloud_features, level):
    Bb, _, dim = pointcloud_features.shape
    # all batch elements are level == 'scene' -> scene_idx == [0..B-1]
    xyz = xyzs[:, :N_POINTS, :]
    scene_fts_in = pointcloud_features[:, :N_POINTS, :]
    scene_pointclouds = jnp.concatenate([xyz, scene_fts_in], axis=-1)
    scene_neighborhood, scene_center = group(scene_pointclouds, NUM_GROUP, GROUP_SIZE)
    neighborhood_xyz = scene_neighborhood[..., :3]
    scene_fts = scene_neighborhood[..., 3:].mean(-2)  # (B, G, dim)
    all_fts = scene_fts  # scatter into zeros at scene_idx == identity here
    all_fts_mask = jnp.ones((Bb, NUM_GROUP), dtype=pointcloud_features.dtype)
    return all_fts, all_fts_mask, scene_center, neighborhood_xyz

if __name__ == "__main__":
    import jax
    _d = setup_inputs()
    print(jax.jit(kernel)(*tuple(_d.values())))

</pallas_src>

<mosaic_0001>
#map = affine_map<(d0, d1) -> (0, 0)>
#map1 = affine_map<(d0, d1) -> (0)>
module attributes {stable_mosaic.version = 14 : i64} {
  func.func @_sc_body(%arg0: i32, %arg1: i32, %arg2: memref<80000x768xf32, #tpu.memory_space<hbm>>, %arg3: memref<80000x128xf32, #tpu.memory_space<hbm>>, %arg4: memref<32768xi32, #tpu.memory_space<hbm>>, %arg5: memref<512x16xf32, #tpu.memory_space<hbm>>, %arg6: memref<512x768xf32, #tpu.memory_space<hbm>>, %arg7: memref<32768x128xf32, #tpu.memory_space<hbm>>, %arg8: memref<64xi32, #tpu.memory_space<vmem>>, %arg9: memref<64x768xf32, #tpu.memory_space<vmem>>, %arg10: memref<64x128xf32, #tpu.memory_space<vmem>>, %arg11: memref<16xf32, #tpu.memory_space<vmem>>, %arg12: memref<768xf32, #tpu.memory_space<vmem>>, %arg13: memref<!tpu.dma_semaphore, #tpu.memory_space<semaphore_mem>>, %arg14: memref<!tpu.dma_semaphore, #tpu.memory_space<semaphore_mem>>) attributes {dimension_semantics = [#tpu.dimension_semantics<core_parallel>, #tpu.dimension_semantics<subcore_parallel>], iteration_bounds = array<i64: 2, 16>, scalar_prefetch = 0 : i64, scratch_operands = 7 : i64, tpu.core_type = #tpu.core_type<sc_vector_subcore>, window_params = [{transform_indices = #map}, {transform_indices = #map}, {transform_indices = #map1}, {transform_indices = #map}, {transform_indices = #map}, {transform_indices = #map}]} {
    %mul3A = arith.constant 2 : i32
    %mul3A_0 = arith.muli %arg1, %mul3A : i32
    %add3A = arith.addi %mul3A_0, %arg0 : i32
    %mul3A_1 = arith.constant 16 : i32
    %mul3A_2 = arith.muli %add3A, %mul3A_1 : i32
    %scan3A = arith.constant 0 : i32
    %scan3A_3 = arith.constant 0 : i32
    %scan3A_4 = arith.constant 16 : i32
    %scan3A_5 = arith.addi %scan3A_3, %scan3A_4 : i32
    %scan3A_6 = arith.constant 1 : i32
    %scan3A_7 = scf.for %scan3A_9 = %scan3A_3 to %scan3A_5 step %scan3A_6 iter_args(%scan3A_10 = %scan3A) -> (i32)  : i32 {
      %add3A_11 = arith.addi %mul3A_2, %scan3A_9 : i32
      %multiple_of3A = tpu.assume_multiple %add3A_11, 1 : i32
      %mul3A_12 = arith.constant 64 : i32
      %mul3A_13 = arith.muli %multiple_of3A, %mul3A_12 : i32
      %multiple_of3A_14 = tpu.assume_multiple %mul3A_13, 8 : i32
      "tpu.region"() ({
        %run_scoped3A = tpu.sem_alloc : memref<!tpu.dma_semaphore, #tpu.memory_space<semaphore_mem>>
        %dma_start3A_471 = tpu.memref_slice %arg4[%multiple_of3A_14] : memref<32768xi32, #tpu.memory_space<hbm>> -> memref<64xi32, #tpu.memory_space<hbm>>
        %dma_start3A_472 = tpu.memref_slice %arg4[%multiple_of3A_14] : memref<32768xi32, #tpu.memory_space<hbm>> -> memref<64xi32, #tpu.memory_space<hbm>>
        tpu.enqueue_dma source(%dma_start3A_472 : memref<64xi32, #tpu.memory_space<hbm>>) target(%arg8 : memref<64xi32, #tpu.memory_space<vmem>>) target_semaphore(%run_scoped3A : memref<!tpu.dma_semaphore, #tpu.memory_space<semaphore_mem>>)
        %dma_wait3A_473 = tpu.memref_slice %arg4[%multiple_of3A_14] : memref<32768xi32, #tpu.memory_space<hbm>> -> memref<64xi32, #tpu.memory_space<hbm>>
        %dma_wait3A_474 = tpu.memref_slice %arg4[%multiple_of3A_14] : memref<32768xi32, #tpu.memory_space<hbm>> -> memref<64xi32, #tpu.memory_space<hbm>>
        tpu.wait_dma2 semaphore(%run_scoped3A : memref<!tpu.dma_semaphore, #tpu.memory_space<semaphore_mem>>) src(%dma_wait3A_474 : memref<64xi32, #tpu.memory_space<hbm>>) dst(%arg8 : memref<64xi32, #tpu.memory_space<vmem>>)
        tpu.yield
      }) : () -> ()
      %dma_start3A = arith.constant 0 : i32
      %dma_start3A_15 = arith.constant 0 : i32
      %dma_start3A_16 = tpu.memref_slice %arg2[%dma_start3A, %dma_start3A_15] : memref<80000x768xf32, #tpu.memory_space<hbm>> -> memref<80000x768xf32, #tpu.memory_space<hbm>>
      tpu.enqueue_indirect_dma source(%dma_start3A_16 : memref<80000x768xf32, #tpu.memory_space<hbm>>) target(%arg9 : memref<64x768xf32, #tpu.memory_space<vmem>>) offsets(%arg8 : memref<64xi32, #tpu.memory_space<vmem>>) semaphore(%arg13 : memref<!tpu.dma_semaphore, #tpu.memory_space<semaphore_mem>>)
      %dma_start3A_17 = arith.constant 0 : i32
      %dma_start3A_18 = arith.constant 0 : i32
      %dma_start3A_19 = tpu.memref_slice %arg3[%dma_start3A_17, %dma_start3A_18] : memref<80000x128xf32, #tpu.memory_space<hbm>> -> memref<80000x128xf32, #tpu.memory_space<hbm>>
      tpu.enqueue_indirect_dma source(%dma_start3A_19 : memref<80000x128xf32, #tpu.memory_space<hbm>>) target(%arg10 : memref<64x128xf32, #tpu.memory_space<vmem>>) offsets(%arg8 : memref<64xi32, #tpu.memory_space<vmem>>) semaphore(%arg14 : memref<!tpu.dma_semaphore, #tpu.memory_space<semaphore_mem>>)
      "tpu.region"() ({
        %run_scoped3A = tpu.sem_alloc : memref<!tpu.dma_semaphore, #tpu.memory_space<semaphore_mem>>
        %dma_start3A_471 = arith.constant 0 : i32
        %dma_start3A_472 = tpu.memref_slice %arg5[%multiple_of3A, %dma_start3A_471] : memref<512x16xf32, #tpu.memory_space<hbm>> -> memref<1x16xf32, #tpu.memory_space<hbm>>
        %dma_start3A_473 = tpu.memref_squeeze %dma_start3A_472 : memref<1x16xf32, #tpu.memory_space<hbm>> -> memref<16xf32, #tpu.memory_space<hbm>>
        %dma_start3A_474 = arith.constant 0 : i32
        %dma_start3A_475 = tpu.memref_slice %arg5[%multiple_of3A, %dma_start3A_474] : memref<512x16xf32, #tpu.memory_space<hbm>> -> memref<1x16xf32, #tpu.memory_space<hbm>>
        %dma_start3A_476 = tpu.memref_squeeze %dma_start3A_475 : memref<1x16xf32, #tpu.memory_space<hbm>> -> memref<16xf32, #tpu.memory_space<hbm>>
        tpu.enqueue_dma source(%dma_start3A_476 : memref<16xf32, #tpu.memory_space<hbm>>) target(%arg11 : memref<16xf32, #tpu.memory_space<vmem>>) target_semaphore(%run_scoped3A : memref<!tpu.dma_semaphore, #tpu.memory_space<semaphore_mem>>)
        %dma_wait3A_477 = arith.constant 0 : i32
        %dma_wait3A_478 = tpu.memref_slice %arg5[%multiple_of3A, %dma_wait3A_477] : memref<512x16xf32, #tpu.memory_space<hbm>> -> memref<1x16xf32, #tpu.memory_space<hbm>>
        %dma_wait3A_479 = tpu.memref_squeeze %dma_wait3A_478 : memref<1x16xf32, #tpu.memory_space<hbm>> -> memref<16xf32, #tpu.memory_space<hbm>>
        %dma_wait3A_480 = arith.constant 0 : i32
        %dma_wait3A_481 = tpu.memref_slice %arg5[%multiple_of3A, %dma_wait3A_480] : memref<512x16xf32, #tpu.memory_space<hbm>> -> memref<1x16xf32, #tpu.memory_space<hbm>>
        %dma_wait3A_482 = tpu.memref_squeeze %dma_wait3A_481 : memref<1x16xf32, #tpu.memory_space<hbm>> -> memref<16xf32, #tpu.memory_space<hbm>>
        tpu.wait_dma2 semaphore(%run_scoped3A : memref<!tpu.dma_semaphore, #tpu.memory_space<semaphore_mem>>) src(%dma_wait3A_482 : memref<16xf32, #tpu.memory_space<hbm>>) dst(%arg11 : memref<16xf32, #tpu.memory_space<vmem>>)
        tpu.yield
      }) : () -> ()
      %dma_wait3A = arith.constant 0 : i32
      %dma_wait3A_20 = arith.constant 0 : i32
      %dma_wait3A_21 = tpu.memref_slice %arg2[%dma_wait3A, %dma_wait3A_20] : memref<80000x768xf32, #tpu.memory_space<hbm>> -> memref<80000x768xf32, #tpu.memory_space<hbm>>
      tpu.wait_indirect_dma semaphore(%arg13 : memref<!tpu.dma_semaphore, #tpu.memory_space<semaphore_mem>>) src(%dma_wait3A_21 : memref<80000x768xf32, #tpu.memory_space<hbm>>) dst(%arg9 : memref<64x768xf32, #tpu.memory_space<vmem>>)
      %broadcast_in_dim3A = arith.constant 0.000000e+00 : f32
      %broadcast_in_dim3A_22 = vector.broadcast %broadcast_in_dim3A : f32 to vector<16xf32>
      %broadcast_in_dim3A_23 = arith.constant 0.000000e+00 : f32
      %broadcast_in_dim3A_24 = vector.broadcast %broadcast_in_dim3A_23 : f32 to vector<16xf32>
      %broadcast_in_dim3A_25 = arith.constant 0.000000e+00 : f32
      %broadcast_in_dim3A_26 = vector.broadcast %broadcast_in_dim3A_25 : f32 to vector<16xf32>
      %broadcast_in_dim3A_27 = arith.constant 0.000000e+00 : f32
      %broadcast_in_dim3A_28 = vector.broadcast %broadcast_in_dim3A_27 : f32 to vector<16xf32>
      %broadcast_in_dim3A_29 = arith.constant 0.000000e+00 : f32
      %broadcast_in_dim3A_30 = vector.broadcast %broadcast_in_dim3A_29 : f32 to vector<16xf32>
      %broadcast_in_dim3A_31 = arith.constant 0.000000e+00 : f32
      %broadcast_in_dim3A_32 = vector.broadcast %broadcast_in_dim3A_31 : f32 to vector<16xf32>
      %broadcast_in_dim3A_33 = arith.constant 0.000000e+00 : f32
      %broadcast_in_dim3A_34 = vector.broadcast %broadcast_in_dim3A_33 : f32 to vector<16xf32>
      %broadcast_in_dim3A_35 = arith.constant 0.000000e+00 : f32
      %broadcast_in_dim3A_36 = vector.broadcast %broadcast_in_dim3A_35 : f32 to vector<16xf32>
      %broadcast_in_dim3A_37 = arith.constant 0.000000e+00 : f32
      %broadcast_in_dim3A_38 = vector.broadcast %broadcast_in_dim3A_37 : f32 to vector<16xf32>
      %broadcast_in_dim3A_39 = arith.constant 0.000000e+00 : f32
      %broadcast_in_dim3A_40 = vector.broadcast %broadcast_in_dim3A_39 : f32 to vector<16xf32>
      %broadcast_in_dim3A_41 = arith.constant 0.000000e+00 : f32
      %broadcast_in_dim3A_42 = vector.broadcast %broadcast_in_dim3A_41 : f32 to vector<16xf32>
      %broadcast_in_dim3A_43 = arith.constant 0.000000e+00 : f32
      %broadcast_in_dim3A_44 = vector.broadcast %broadcast_in_dim3A_43 : f32 to vector<16xf32>
      %broadcast_in_dim3A_45 = arith.constant 0.000000e+00 : f32
      %broadcast_in_dim3A_46 = vector.broadcast %broadcast_in_dim3A_45 : f32 to vector<16xf32>
      %broadcast_in_dim3A_47 = arith.constant 0.000000e+00 : f32
      %broadcast_in_dim3A_48 = vector.broadcast %broadcast_in_dim3A_47 : f32 to vector<16xf32>
      %broadcast_in_dim3A_49 = arith.constant 0.000000e+00 : f32
      %broadcast_in_dim3A_50 = vector.broadcast %broadcast_in_dim3A_49 : f32 to vector<16xf32>
      %broadcast_in_dim3A_51 = arith.constant 0.000000e+00 : f32
      %broadcast_in_dim3A_52 = vector.broadcast %broadcast_in_dim3A_51 : f32 to vector<16xf32>
      %broadcast_in_dim3A_53 = arith.constant 0.000000e+00 : f32
      %broadcast_in_dim3A_54 = vector.broadcast %broadcast_in_dim3A_53 : f32 to vector<16xf32>
      %broadcast_in_dim3A_55 = arith.constant 0.000000e+00 : f32
      %broadcast_in_dim3A_56 = vector.broadcast %broadcast_in_dim3A_55 : f32 to vector<16xf32>
      %broadcast_in_dim3A_57 = arith.constant 0.000000e+00 : f32
      %broadcast_in_dim3A_58 = vector.broadcast %broadcast_in_dim3A_57 : f32 to vector<16xf32>
      %broadcast_in_dim3A_59 = arith.constant 0.000000e+00 : f32
      %broadcast_in_dim3A_60 = vector.broadcast %broadcast_in_dim3A_59 : f32 to vector<16xf32>
      %broadcast_in_dim3A_61 = arith.constant 0.000000e+00 : f32
      %broadcast_in_dim3A_62 = vector.broadcast %broadcast_in_dim3A_61 : f32 to vector<16xf32>
      %broadcast_in_dim3A_63 = arith.constant 0.000000e+00 : f32
      %broadcast_in_dim3A_64 = vector.broadcast %broadcast_in_dim3A_63 : f32 to vector<16xf32>
      %broadcast_in_dim3A_65 = arith.constant 0.000000e+00 : f32
      %broadcast_in_dim3A_66 = vector.broadcast %broadcast_in_dim3A_65 : f32 to vector<16xf32>
      %broadcast_in_dim3A_67 = arith.constant 0.000000e+00 : f32
      %broadcast_in_dim3A_68 = vector.broadcast %broadcast_in_dim3A_67 : f32 to vector<16xf32>
      %broadcast_in_dim3A_69 = arith.constant 0.000000e+00 : f32
      %broadcast_in_dim3A_70 = vector.broadcast %broadcast_in_dim3A_69 : f32 to vector<16xf32>
      %broadcast_in_dim3A_71 = arith.constant 0.000000e+00 : f32
      %broadcast_in_dim3A_72 = vector.broadcast %broadcast_in_dim3A_71 : f32 to vector<16xf32>
      %broadcast_in_dim3A_73 = arith.constant 0.000000e+00 : f32
      %broadcast_in_dim3A_74 = vector.broadcast %broadcast_in_dim3A_73 : f32 to vector<16xf32>
      %broadcast_in_dim3A_75 = arith.constant 0.000000e+00 : f32
      %broadcast_in_dim3A_76 = vector.broadcast %broadcast_in_dim3A_75 : f32 to vector<16xf32>
      %broadcast_in_dim3A_77 = arith.constant 0.000000e+00 : f32
      %broadcast_in_dim3A_78 = vector.broadcast %broadcast_in_dim3A_77 : f32 to vector<16xf32>
      %broadcast_in_dim3A_79 = arith.constant 0.000000e+00 : f32
      %broadcast_in_dim3A_80 = vector.broadcast %broadcast_in_dim3A_79 : f32 to vector<16xf32>
      %broadcast_in_dim3A_81 = arith.constant 0.000000e+00 : f32
      %broadcast_in_dim3A_82 = vector.broadcast %broadcast_in_dim3A_81 : f32 to vector<16xf32>
      %broadcast_in_dim3A_83 = arith.constant 0.000000e+00 : f32
      %broadcast_in_dim3A_84 = vector.broadcast %broadcast_in_dim3A_83 : f32 to vector<16xf32>
      %broadcast_in_dim3A_85 = arith.constant 0.000000e+00 : f32
      %broadcast_in_dim3A_86 = vector.broadcast %broadcast_in_dim3A_85 : f32 to vector<16xf32>
      %broadcast_in_dim3A_87 = arith.constant 0.000000e+00 : f32
      %broadcast_in_dim3A_88 = vector.broadcast %broadcast_in_dim3A_87 : f32 to vector<16xf32>
      %broadcast_in_dim3A_89 = arith.constant 0.000000e+00 : f32
      %broadcast_in_dim3A_90 = vector.broadcast %broadcast_in_dim3A_89 : f32 to vector<16xf32>
      %broadcast_in_dim3A_91 = arith.constant 0.000000e+00 : f32
      %broadcast_in_dim3A_92 = vector.broadcast %broadcast_in_dim3A_91 : f32 to vector<16xf32>
      %broadcast_in_dim3A_93 = arith.constant 0.000000e+00 : f32
      %broadcast_in_dim3A_94 = vector.broadcast %broadcast_in_dim3A_93 : f32 to vector<16xf32>
      %broadcast_in_dim3A_95 = arith.constant 0.000000e+00 : f32
      %broadcast_in_dim3A_96 = vector.broadcast %broadcast_in_dim3A_95 : f32 to vector<16xf32>
      %broadcast_in_dim3A_97 = arith.constant 0.000000e+00 : f32
      %broadcast_in_dim3A_98 = vector.broadcast %broadcast_in_dim3A_97 : f32 to vector<16xf32>
      %broadcast_in_dim3A_99 = arith.constant 0.000000e+00 : f32
      %broadcast_in_dim3A_100 = vector.broadcast %broadcast_in_dim3A_99 : f32 to vector<16xf32>
      %broadcast_in_dim3A_101 = arith.constant 0.000000e+00 : f32
      %broadcast_in_dim3A_102 = vector.broadcast %broadcast_in_dim3A_101 : f32 to vector<16xf32>
      %broadcast_in_dim3A_103 = arith.constant 0.000000e+00 : f32
      %broadcast_in_dim3A_104 = vector.broadcast %broadcast_in_dim3A_103 : f32 to vector<16xf32>
      %broadcast_in_dim3A_105 = arith.constant 0.000000e+00 : f32
      %broadcast_in_dim3A_106 = vector.broadcast %broadcast_in_dim3A_105 : f32 to vector<16xf32>
      %broadcast_in_dim3A_107 = arith.constant 0.000000e+00 : f32
      %broadcast_in_dim3A_108 = vector.broadcast %broadcast_in_dim3A_107 : f32 to vector<16xf32>
      %broadcast_in_dim3A_109 = arith.constant 0.000000e+00 : f32
      %broadcast_in_dim3A_110 = vector.broadcast %broadcast_in_dim3A_109 : f32 to vector<16xf32>
      %broadcast_in_dim3A_111 = arith.constant 0.000000e+00 : f32
      %broadcast_in_dim3A_112 = vector.broadcast %broadcast_in_dim3A_111 : f32 to vector<16xf32>
      %broadcast_in_dim3A_113 = arith.constant 0.000000e+00 : f32
      %broadcast_in_dim3A_114 = vector.broadcast %broadcast_in_dim3A_113 : f32 to vector<16xf32>
      %broadcast_in_dim3A_115 = arith.constant 0.000000e+00 : f32
      %broadcast_in_dim3A_116 = vector.broadcast %broadcast_in_dim3A_115 : f32 to vector<16xf32>
      %scan3A_117 = arith.constant 0 : i32
      %scan3A_118 = arith.constant 64 : i32
      %scan3A_119 = arith.addi %scan3A_117, %scan3A_118 : i32
      %scan3A_120 = arith.constant 1 : i32
      %scan3A_121:48 = scf.for %scan3A_471 = %scan3A_117 to %scan3A_119 step %scan3A_120 iter_args(%scan3A_472 = %broadcast_in_dim3A_22, %scan3A_473 = %broadcast_in_dim3A_24, %scan3A_474 = %broadcast_in_dim3A_26, %scan3A_475 = %broadcast_in_dim3A_28, %scan3A_476 = %broadcast_in_dim3A_30, %scan3A_477 = %broadcast_in_dim3A_32, %scan3A_478 = %broadcast_in_dim3A_34, %scan3A_479 = %broadcast_in_dim3A_36, %scan3A_480 = %broadcast_in_dim3A_38, %scan3A_481 = %broadcast_in_dim3A_40, %scan3A_482 = %broadcast_in_dim3A_42, %scan3A_483 = %broadcast_in_dim3A_44, %scan3A_484 = %broadcast_in_dim3A_46, %scan3A_485 = %broadcast_in_dim3A_48, %scan3A_486 = %broadcast_in_dim3A_50, %scan3A_487 = %broadcast_in_dim3A_52, %scan3A_488 = %broadcast_in_dim3A_54, %scan3A_489 = %broadcast_in_dim3A_56, %scan3A_490 = %broadcast_in_dim3A_58, %scan3A_491 = %broadcast_in_dim3A_60, %scan3A_492 = %broadcast_in_dim3A_62, %scan3A_493 = %broadcast_in_dim3A_64, %scan3A_494 = %broadcast_in_dim3A_66, %scan3A_495 = %broadcast_in_dim3A_68, %scan3A_496 = %broadcast_in_dim3A_70, %scan3A_497 = %broadcast_in_dim3A_72, %scan3A_498 = %broadcast_in_dim3A_74, %scan3A_499 = %broadcast_in_dim3A_76, %scan3A_500 = %broadcast_in_dim3A_78, %scan3A_501 = %broadcast_in_dim3A_80, %scan3A_502 = %broadcast_in_dim3A_82, %scan3A_503 = %broadcast_in_dim3A_84, %scan3A_504 = %broadcast_in_dim3A_86, %scan3A_505 = %broadcast_in_dim3A_88, %scan3A_506 = %broadcast_in_dim3A_90, %scan3A_507 = %broadcast_in_dim3A_92, %scan3A_508 = %broadcast_in_dim3A_94, %scan3A_509 = %broadcast_in_dim3A_96, %scan3A_510 = %broadcast_in_dim3A_98, %scan3A_511 = %broadcast_in_dim3A_100, %scan3A_512 = %broadcast_in_dim3A_102, %scan3A_513 = %broadcast_in_dim3A_104, %scan3A_514 = %broadcast_in_dim3A_106, %scan3A_515 = %broadcast_in_dim3A_108, %scan3A_516 = %broadcast_in_dim3A_110, %scan3A_517 = %broadcast_in_dim3A_112, %scan3A_518 = %broadcast_in_dim3A_114, %scan3A_519 = %broadcast_in_dim3A_116) -> (vector<16xf32>, vector<16xf32>, vector<16xf32>, vector<16xf32>, vector<16xf32>, vector<16xf32>, vector<16xf32>, vector<16xf32>, vector<16xf32>, vector<16xf32>, vector<16xf32>, vector<16xf32>, vector<16xf32>, vector<16xf32>, vector<16xf32>, vector<16xf32>, vector<16xf32>, vector<16xf32>, vector<16xf32>, vector<16xf32>, vector<16xf32>, vector<16xf32>, vector<16xf32>, vector<16xf32>, vector<16xf32>, vector<16xf32>, vector<16xf32>, vector<16xf32>, vector<16xf32>, vector<16xf32>, vector<16xf32>, vector<16xf32>, vector<16xf32>, vector<16xf32>, vector<16xf32>, vector<16xf32>, vector<16xf32>, vector<16xf32>, vector<16xf32>, vector<16xf32>, vector<16xf32>, vector<16xf32>, vector<16xf32>, vector<16xf32>, vector<16xf32>, vector<16xf32>, vector<16xf32>, vector<16xf32>)  : i32 {
        %get3A_520 = arith.index_cast %scan3A_471 : i32 to index
        %get3A_521 = arith.constant 0 : index
        %get3A_522 = tpu.vector_load %arg9[%get3A_520, %get3A_521] {strides = array<i32>} : memref<64x768xf32, #tpu.memory_space<vmem>>, vector<1x16xf32>,
        %get3A_523 = vector.shape_cast %get3A_522 : vector<1x16xf32> to vector<16xf32>
        %add3A_524 = arith.addf %scan3A_472, %get3A_523 : vector<16xf32>
        %get3A_525 = arith.index_cast %scan3A_471 : i32 to index
        %get3A_526 = arith.constant 16 : index
        %get3A_527 = tpu.vector_load %arg9[%get3A_525, %get3A_526] {strides = array<i32>} : memref<64x768xf32, #tpu.memory_space<vmem>>, vector<1x16xf32>,
        %get3A_528 = vector.shape_cast %get3A_527 : vector<1x16xf32> to vector<16xf32>
        %add3A_529 = arith.addf %scan3A_473, %get3A_528 : vector<16xf32>
        %get3A_530 = arith.index_cast %scan3A_471 : i32 to index
        %get3A_531 = arith.constant 32 : index
        %get3A_532 = tpu.vector_load %arg9[%get3A_530, %get3A_531] {strides = array<i32>} : memref<64x768xf32, #tpu.memory_space<vmem>>, vector<1x16xf32>,
        %get3A_533 = vector.shape_cast %get3A_532 : vector<1x16xf32> to vector<16xf32>
        %add3A_534 = arith.addf %scan3A_474, %get3A_533 : vector<16xf32>
        %get3A_535 = arith.index_cast %scan3A_471 : i32 to index
        %get3A_536 = arith.constant 48 : index
        %get3A_537 = tpu.vector_load %arg9[%get3A_535, %get3A_536] {strides = array<i32>} : memref<64x768xf32, #tpu.memory_space<vmem>>, vector<1x16xf32>,
        %get3A_538 = vector.shape_cast %get3A_537 : vector<1x16xf32> to vector<16xf32>
        %add3A_539 = arith.addf %scan3A_475, %get3A_538 : vector<16xf32>
        %get3A_540 = arith.index_cast %scan3A_471 : i32 to index
        %get3A_541 = arith.constant 64 : index
        %get3A_542 = tpu.vector_load %arg9[%get3A_540, %get3A_541] {strides = array<i32>} : memref<64x768xf32, #tpu.memory_space<vmem>>, vector<1x16xf32>,
        %get3A_543 = vector.shape_cast %get3A_542 : vector<1x16xf32> to vector<16xf32>
        %add3A_544 = arith.addf %scan3A_476, %get3A_543 : vector<16xf32>
        %get3A_545 = arith.index_cast %scan3A_471 : i32 to index
        %get3A_546 = arith.constant 80 : index
        %get3A_547 = tpu.vector_load %arg9[%get3A_545, %get3A_546] {strides = array<i32>} : memref<64x768xf32, #tpu.memory_space<vmem>>, vector<1x16xf32>,
        %get3A_548 = vector.shape_cast %get3A_547 : vector<1x16xf32> to vector<16xf32>
        %add3A_549 = arith.addf %scan3A_477, %get3A_548 : vector<16xf32>
        %get3A_550 = arith.index_cast %scan3A_471 : i32 to index
        %get3A_551 = arith.constant 96 : index
        %get3A_552 = tpu.vector_load %arg9[%get3A_550, %get3A_551] {strides = array<i32>} : memref<64x768xf32, #tpu.memory_space<vmem>>, vector<1x16xf32>,
        %get3A_553 = vector.shape_cast %get3A_552 : vector<1x16xf32> to vector<16xf32>
        %add3A_554 = arith.addf %scan3A_478, %get3A_553 : vector<16xf32>
        %get3A_555 = arith.index_cast %scan3A_471 : i32 to index
        %get3A_556 = arith.constant 112 : index
        %get3A_557 = tpu.vector_load %arg9[%get3A_555, %get3A_556] {strides = array<i32>} : memref<64x768xf32, #tpu.memory_space<vmem>>, vector<1x16xf32>,
        %get3A_558 = vector.shape_cast %get3A_557 : vector<1x16xf32> to vector<16xf32>
        %add3A_559 = arith.addf %scan3A_479, %get3A_558 : vector<16xf32>
        %get3A_560 = arith.index_cast %scan3A_471 : i32 to index
        %get3A_561 = arith.constant 128 : index
        %get3A_562 = tpu.vector_load %arg9[%get3A_560, %get3A_561] {strides = array<i32>} : memref<64x768xf32, #tpu.memory_space<vmem>>, vector<1x16xf32>,
        %get3A_563 = vector.shape_cast %get3A_562 : vector<1x16xf32> to vector<16xf32>
        %add3A_564 = arith.addf %scan3A_480, %get3A_563 : vector<16xf32>
        %get3A_565 = arith.index_cast %scan3A_471 : i32 to index
        %get3A_566 = arith.constant 144 : index
        %get3A_567 = tpu.vector_load %arg9[%get3A_565, %get3A_566] {strides = array<i32>} : memref<64x768xf32, #tpu.memory_space<vmem>>, vector<1x16xf32>,
        %get3A_568 = vector.shape_cast %get3A_567 : vector<1x16xf32> to vector<16xf32>
        %add3A_569 = arith.addf %scan3A_481, %get3A_568 : vector<16xf32>
        %get3A_570 = arith.index_cast %scan3A_471 : i32 to index
        %get3A_571 = arith.constant 160 : index
        %get3A_572 = tpu.vector_load %arg9[%get3A_570, %get3A_571] {strides = array<i32>} : memref<64x768xf32, #tpu.memory_space<vmem>>, vector<1x16xf32>,
        %get3A_573 = vector.shape_cast %get3A_572 : vector<1x16xf32> to vector<16xf32>
        %add3A_574 = arith.addf %scan3A_482, %get3A_573 : vector<16xf32>
        %get3A_575 = arith.index_cast %scan3A_471 : i32 to index
        %get3A_576 = arith.constant 176 : index
        %get3A_577 = tpu.vector_load %arg9[%get3A_575, %get3A_576] {strides = array<i32>} : memref<64x768xf32, #tpu.memory_space<vmem>>, vector<1x16xf32>,
        %get3A_578 = vector.shape_cast %get3A_577 : vector<1x16xf32> to vector<16xf32>
        %add3A_579 = arith.addf %scan3A_483, %get3A_578 : vector<16xf32>
        %get3A_580 = arith.index_cast %scan3A_471 : i32 to index
        %get3A_581 = arith.constant 192 : index
        %get3A_582 = tpu.vector_load %arg9[%get3A_580, %get3A_581] {strides = array<i32>} : memref<64x768xf32, #tpu.memory_space<vmem>>, vector<1x16xf32>,
        %get3A_583 = vector.shape_cast %get3A_582 : vector<1x16xf32> to vector<16xf32>
        %add3A_584 = arith.addf %scan3A_484, %get3A_583 : vector<16xf32>
        %get3A_585 = arith.index_cast %scan3A_471 : i32 to index
        %get3A_586 = arith.constant 208 : index
        %get3A_587 = tpu.vector_load %arg9[%get3A_585, %get3A_586] {strides = array<i32>} : memref<64x768xf32, #tpu.memory_space<vmem>>, vector<1x16xf32>,
        %get3A_588 = vector.shape_cast %get3A_587 : vector<1x16xf32> to vector<16xf32>
        %add3A_589 = arith.addf %scan3A_485, %get3A_588 : vector<16xf32>
        %get3A_590 = arith.index_cast %scan3A_471 : i32 to index
        %get3A_591 = arith.constant 224 : index
        %get3A_592 = tpu.vector_load %arg9[%get3A_590, %get3A_591] {strides = array<i32>} : memref<64x768xf32, #tpu.memory_space<vmem>>, vector<1x16xf32>,
        %get3A_593 = vector.shape_cast %get3A_592 : vector<1x16xf32> to vector<16xf32>
        %add3A_594 = arith.addf %scan3A_486, %get3A_593 : vector<16xf32>
        %get3A_595 = arith.index_cast %scan3A_471 : i32 to index
        %get3A_596 = arith.constant 240 : index
        %get3A_597 = tpu.vector_load %arg9[%get3A_595, %get3A_596] {strides = array<i32>} : memref<64x768xf32, #tpu.memory_space<vmem>>, vector<1x16xf32>,
        %get3A_598 = vector.shape_cast %get3A_597 : vector<1x16xf32> to vector<16xf32>
        %add3A_599 = arith.addf %scan3A_487, %get3A_598 : vector<16xf32>
        %get3A_600 = arith.index_cast %scan3A_471 : i32 to index
        %get3A_601 = arith.constant 256 : index
        %get3A_602 = tpu.vector_load %arg9[%get3A_600, %get3A_601] {strides = array<i32>} : memref<64x768xf32, #tpu.memory_space<vmem>>, vector<1x16xf32>,
        %get3A_603 = vector.shape_cast %get3A_602 : vector<1x16xf32> to vector<16xf32>
        %add3A_604 = arith.addf %scan3A_488, %get3A_603 : vector<16xf32>
        %get3A_605 = arith.index_cast %scan3A_471 : i32 to index
        %get3A_606 = arith.constant 272 : index
        %get3A_607 = tpu.vector_load %arg9[%get3A_605, %get3A_606] {strides = array<i32>} : memref<64x768xf32, #tpu.memory_space<vmem>>, vector<1x16xf32>,
        %get3A_608 = vector.shape_cast %get3A_607 : vector<1x16xf32> to vector<16xf32>
        %add3A_609 = arith.addf %scan3A_489, %get3A_608 : vector<16xf32>
        %get3A_610 = arith.index_cast %scan3A_471 : i32 to index
        %get3A_611 = arith.constant 288 : index
        %get3A_612 = tpu.vector_load %arg9[%get3A_610, %get3A_611] {strides = array<i32>} : memref<64x768xf32, #tpu.memory_space<vmem>>, vector<1x16xf32>,
        %get3A_613 = vector.shape_cast %get3A_612 : vector<1x16xf32> to vector<16xf32>
        %add3A_614 = arith.addf %scan3A_490, %get3A_613 : vector<16xf32>
        %get3A_615 = arith.index_cast %scan3A_471 : i32 to index
        %get3A_616 = arith.constant 304 : index
        %get3A_617 = tpu.vector_load %arg9[%get3A_615, %get3A_616] {strides = array<i32>} : memref<64x768xf32, #tpu.memory_space<vmem>>, vector<1x16xf32>,
        %get3A_618 = vector.shape_cast %get3A_617 : vector<1x16xf32> to vector<16xf32>
        %add3A_619 = arith.addf %scan3A_491, %get3A_618 : vector<16xf32>
        %get3A_620 = arith.index_cast %scan3A_471 : i32 to index
        %get3A_621 = arith.constant 320 : index
        %get3A_622 = tpu.vector_load %arg9[%get3A_620, %get3A_621] {strides = array<i32>} : memref<64x768xf32, #tpu.memory_space<vmem>>, vector<1x16xf32>,
        %get3A_623 = vector.shape_cast %get3A_622 : vector<1x16xf32> to vector<16xf32>
        %add3A_624 = arith.addf %scan3A_492, %get3A_623 : vector<16xf32>
        %get3A_625 = arith.index_cast %scan3A_471 : i32 to index
        %get3A_626 = arith.constant 336 : index
        %get3A_627 = tpu.vector_load %arg9[%get3A_625, %get3A_626] {strides = array<i32>} : memref<64x768xf32, #tpu.memory_space<vmem>>, vector<1x16xf32>,
        %get3A_628 = vector.shape_cast %get3A_627 : vector<1x16xf32> to vector<16xf32>
        %add3A_629 = arith.addf %scan3A_493, %get3A_628 : vector<16xf32>
        %get3A_630 = arith.index_cast %scan3A_471 : i32 to index
        %get3A_631 = arith.constant 352 : index
        %get3A_632 = tpu.vector_load %arg9[%get3A_630, %get3A_631] {strides = array<i32>} : memref<64x768xf32, #tpu.memory_space<vmem>>, vector<1x16xf32>,
        %get3A_633 = vector.shape_cast %get3A_632 : vector<1x16xf32> to vector<16xf32>
        %add3A_634 = arith.addf %scan3A_494, %get3A_633 : vector<16xf32>
        %get3A_635 = arith.index_cast %scan3A_471 : i32 to index
        %get3A_636 = arith.constant 368 : index
        %get3A_637 = tpu.vector_load %arg9[%get3A_635, %get3A_636] {strides = array<i32>} : memref<64x768xf32, #tpu.memory_space<vmem>>, vector<1x16xf32>,
        %get3A_638 = vector.shape_cast %get3A_637 : vector<1x16xf32> to vector<16xf32>
        %add3A_639 = arith.addf %scan3A_495, %get3A_638 : vector<16xf32>
        %get3A_640 = arith.index_cast %scan3A_471 : i32 to index
        %get3A_641 = arith.constant 384 : index
        %get3A_642 = tpu.vector_load %arg9[%get3A_640, %get3A_641] {strides = array<i32>} : memref<64x768xf32, #tpu.memory_space<vmem>>, vector<1x16xf32>,
        %get3A_643 = vector.shape_cast %get3A_642 : vector<1x16xf32> to vector<16xf32>
        %add3A_644 = arith.addf %scan3A_496, %get3A_643 : vector<16xf32>
        %get3A_645 = arith.index_cast %scan3A_471 : i32 to index
        %get3A_646 = arith.constant 400 : index
        %get3A_647 = tpu.vector_load %arg9[%get3A_645, %get3A_646] {strides = array<i32>} : memref<64x768xf32, #tpu.memory_space<vmem>>, vector<1x16xf32>,
        %get3A_648 = vector.shape_cast %get3A_647 : vector<1x16xf32> to vector<16xf32>
        %add3A_649 = arith.addf %scan3A_497, %get3A_648 : vector<16xf32>
        %get3A_650 = arith.index_cast %scan3A_471 : i32 to index
        %get3A_651 = arith.constant 416 : index
        %get3A_652 = tpu.vector_load %arg9[%get3A_650, %get3A_651] {strides = array<i32>} : memref<64x768xf32, #tpu.memory_space<vmem>>, vector<1x16xf32>,
        %get3A_653 = vector.shape_cast %get3A_652 : vector<1x16xf32> to vector<16xf32>
        %add3A_654 = arith.addf %scan3A_498, %get3A_653 : vector<16xf32>
        %get3A_655 = arith.index_cast %scan3A_471 : i32 to index
        %get3A_656 = arith.constant 432 : index
        %get3A_657 = tpu.vector_load %arg9[%get3A_655, %get3A_656] {strides = array<i32>} : memref<64x768xf32, #tpu.memory_space<vmem>>, vector<1x16xf32>,
        %get3A_658 = vector.shape_cast %get3A_657 : vector<1x16xf32> to vector<16xf32>
        %add3A_659 = arith.addf %scan3A_499, %get3A_658 : vector<16xf32>
        %get3A_660 = arith.index_cast %scan3A_471 : i32 to index
        %get3A_661 = arith.constant 448 : index
        %get3A_662 = tpu.vector_load %arg9[%get3A_660, %get3A_661] {strides = array<i32>} : memref<64x768xf32, #tpu.memory_space<vmem>>, vector<1x16xf32>,
        %get3A_663 = vector.shape_cast %get3A_662 : vector<1x16xf32> to vector<16xf32>
        %add3A_664 = arith.addf %scan3A_500, %get3A_663 : vector<16xf32>
        %get3A_665 = arith.index_cast %scan3A_471 : i32 to index
        %get3A_666 = arith.constant 464 : index
        %get3A_667 = tpu.vector_load %arg9[%get3A_665, %get3A_666] {strides = array<i32>} : memref<64x768xf32, #tpu.memory_space<vmem>>, vector<1x16xf32>,
        %get3A_668 = vector.shape_cast %get3A_667 : vector<1x16xf32> to vector<16xf32>
        %add3A_669 = arith.addf %scan3A_501, %get3A_668 : vector<16xf32>
        %get3A_670 = arith.index_cast %scan3A_471 : i32 to index
        %get3A_671 = arith.constant 480 : index
        %get3A_672 = tpu.vector_load %arg9[%get3A_670, %get3A_671] {strides = array<i32>} : memref<64x768xf32, #tpu.memory_space<vmem>>, vector<1x16xf32>,
        %get3A_673 = vector.shape_cast %get3A_672 : vector<1x16xf32> to vector<16xf32>
        %add3A_674 = arith.addf %scan3A_502, %get3A_673 : vector<16xf32>
        %get3A_675 = arith.index_cast %scan3A_471 : i32 to index
        %get3A_676 = arith.constant 496 : index
        %get3A_677 = tpu.vector_load %arg9[%get3A_675, %get3A_676] {strides = array<i32>} : memref<64x768xf32, #tpu.memory_space<vmem>>, vector<1x16xf32>,
        %get3A_678 = vector.shape_cast %get3A_677 : vector<1x16xf32> to vector<16xf32>
        %add3A_679 = arith.addf %scan3A_503, %get3A_678 : vector<16xf32>
        %get3A_680 = arith.index_cast %scan3A_471 : i32 to index
        %get3A_681 = arith.constant 512 : index
        %get3A_682 = tpu.vector_load %arg9[%get3A_680, %get3A_681] {strides = array<i32>} : memref<64x768xf32, #tpu.memory_space<vmem>>, vector<1x16xf32>,
        %get3A_683 = vector.shape_cast %get3A_682 : vector<1x16xf32> to vector<16xf32>
        %add3A_684 = arith.addf %scan3A_504, %get3A_683 : vector<16xf32>
        %get3A_685 = arith.index_cast %scan3A_471 : i32 to index
        %get3A_686 = arith.constant 528 : index
        %get3A_687 = tpu.vector_load %arg9[%get3A_685, %get3A_686] {strides = array<i32>} : memref<64x768xf32, #tpu.memory_space<vmem>>, vector<1x16xf32>,
        %get3A_688 = vector.shape_cast %get3A_687 : vector<1x16xf32> to vector<16xf32>
        %add3A_689 = arith.addf %scan3A_505, %get3A_688 : vector<16xf32>
        %get3A_690 = arith.index_cast %scan3A_471 : i32 to index
        %get3A_691 = arith.constant 544 : index
        %get3A_692 = tpu.vector_load %arg9[%get3A_690, %get3A_691] {strides = array<i32>} : memref<64x768xf32, #tpu.memory_space<vmem>>, vector<1x16xf32>,
        %get3A_693 = vector.shape_cast %get3A_692 : vector<1x16xf32> to vector<16xf32>
        %add3A_694 = arith.addf %scan3A_506, %get3A_693 : vector<16xf32>
        %get3A_695 = arith.index_cast %scan3A_471 : i32 to index
        %get3A_696 = arith.constant 560 : index
        %get3A_697 = tpu.vector_load %arg9[%get3A_695, %get3A_696] {strides = array<i32>} : memref<64x768xf32, #tpu.memory_space<vmem>>, vector<1x16xf32>,
        %get3A_698 = vector.shape_cast %get3A_697 : vector<1x16xf32> to vector<16xf32>
        %add3A_699 = arith.addf %scan3A_507, %get3A_698 : vector<16xf32>
        %get3A_700 = arith.index_cast %scan3A_471 : i32 to index
        %get3A_701 = arith.constant 576 : index
        %get3A_702 = tpu.vector_load %arg9[%get3A_700, %get3A_701] {strides = array<i32>} : memref<64x768xf32, #tpu.memory_space<vmem>>, vector<1x16xf32>,
        %get3A_703 = vector.shape_cast %get3A_702 : vector<1x16xf32> to vector<16xf32>
        %add3A_704 = arith.addf %scan3A_508, %get3A_703 : vector<16xf32>
        %get3A_705 = arith.index_cast %scan3A_471 : i32 to index
        %get3A_706 = arith.constant 592 : index
        %get3A_707 = tpu.vector_load %arg9[%get3A_705, %get3A_706] {strides = array<i32>} : memref<64x768xf32, #tpu.memory_space<vmem>>, vector<1x16xf32>,
        %get3A_708 = vector.shape_cast %get3A_707 : vector<1x16xf32> to vector<16xf32>
        %add3A_709 = arith.addf %scan3A_509, %get3A_708 : vector<16xf32>
        %get3A_710 = arith.index_cast %scan3A_471 : i32 to index
        %get3A_711 = arith.constant 608 : index
        %get3A_712 = tpu.vector_load %arg9[%get3A_710, %get3A_711] {strides = array<i32>} : memref<64x768xf32, #tpu.memory_space<vmem>>, vector<1x16xf32>,
        %get3A_713 = vector.shape_cast %get3A_712 : vector<1x16xf32> to vector<16xf32>
        %add3A_714 = arith.addf %scan3A_510, %get3A_713 : vector<16xf32>
        %get3A_715 = arith.index_cast %scan3A_471 : i32 to index
        %get3A_716 = arith.constant 624 : index
        %get3A_717 = tpu.vector_load %arg9[%get3A_715, %get3A_716] {strides = array<i32>} : memref<64x768xf32, #tpu.memory_space<vmem>>, vector<1x16xf32>,
        %get3A_718 = vector.shape_cast %get3A_717 : vector<1x16xf32> to vector<16xf32>
        %add3A_719 = arith.addf %scan3A_511, %get3A_718 : vector<16xf32>
        %get3A_720 = arith.index_cast %scan3A_471 : i32 to index
        %get3A_721 = arith.constant 640 : index
        %get3A_722 = tpu.vector_load %arg9[%get3A_720, %get3A_721] {strides = array<i32>} : memref<64x768xf32, #tpu.memory_space<vmem>>, vector<1x16xf32>,
        %get3A_723 = vector.shape_cast %get3A_722 : vector<1x16xf32> to vector<16xf32>
        %add3A_724 = arith.addf %scan3A_512, %get3A_723 : vector<16xf32>
        %get3A_725 = arith.index_cast %scan3A_471 : i32 to index
        %get3A_726 = arith.constant 656 : index
        %get3A_727 = tpu.vector_load %arg9[%get3A_725, %get3A_726] {strides = array<i32>} : memref<64x768xf32, #tpu.memory_space<vmem>>, vector<1x16xf32>,
        %get3A_728 = vector.shape_cast %get3A_727 : vector<1x16xf32> to vector<16xf32>
        %add3A_729 = arith.addf %scan3A_513, %get3A_728 : vector<16xf32>
        %get3A_730 = arith.index_cast %scan3A_471 : i32 to index
        %get3A_731 = arith.constant 672 : index
        %get3A_732 = tpu.vector_load %arg9[%get3A_730, %get3A_731] {strides = array<i32>} : memref<64x768xf32, #tpu.memory_space<vmem>>, vector<1x16xf32>,
        %get3A_733 = vector.shape_cast %get3A_732 : vector<1x16xf32> to vector<16xf32>
        %add3A_734 = arith.addf %scan3A_514, %get3A_733 : vector<16xf32>
        %get3A_735 = arith.index_cast %scan3A_471 : i32 to index
        %get3A_736 = arith.constant 688 : index
        %get3A_737 = tpu.vector_load %arg9[%get3A_735, %get3A_736] {strides = array<i32>} : memref<64x768xf32, #tpu.memory_space<vmem>>, vector<1x16xf32>,
        %get3A_738 = vector.shape_cast %get3A_737 : vector<1x16xf32> to vector<16xf32>
        %add3A_739 = arith.addf %scan3A_515, %get3A_738 : vector<16xf32>
        %get3A_740 = arith.index_cast %scan3A_471 : i32 to index
        %get3A_741 = arith.constant 704 : index
        %get3A_742 = tpu.vector_load %arg9[%get3A_740, %get3A_741] {strides = array<i32>} : memref<64x768xf32, #tpu.memory_space<vmem>>, vector<1x16xf32>,
        %get3A_743 = vector.shape_cast %get3A_742 : vector<1x16xf32> to vector<16xf32>
        %add3A_744 = arith.addf %scan3A_516, %get3A_743 : vector<16xf32>
        %get3A_745 = arith.index_cast %scan3A_471 : i32 to index
        %get3A_746 = arith.constant 720 : index
        %get3A_747 = tpu.vector_load %arg9[%get3A_745, %get3A_746] {strides = array<i32>} : memref<64x768xf32, #tpu.memory_space<vmem>>, vector<1x16xf32>,
        %get3A_748 = vector.shape_cast %get3A_747 : vector<1x16xf32> to vector<16xf32>
        %add3A_749 = arith.addf %scan3A_517, %get3A_748 : vector<16xf32>
        %get3A_750 = arith.index_cast %scan3A_471 : i32 to index
        %get3A_751 = arith.constant 736 : index
        %get3A_752 = tpu.vector_load %arg9[%get3A_750, %get3A_751] {strides = array<i32>} : memref<64x768xf32, #tpu.memory_space<vmem>>, vector<1x16xf32>,
        %get3A_753 = vector.shape_cast %get3A_752 : vector<1x16xf32> to vector<16xf32>
        %add3A_754 = arith.addf %scan3A_518, %get3A_753 : vector<16xf32>
        %get3A_755 = arith.index_cast %scan3A_471 : i32 to index
        %get3A_756 = arith.constant 752 : index
        %get3A_757 = tpu.vector_load %arg9[%get3A_755, %get3A_756] {strides = array<i32>} : memref<64x768xf32, #tpu.memory_space<vmem>>, vector<1x16xf32>,
        %get3A_758 = vector.shape_cast %get3A_757 : vector<1x16xf32> to vector<16xf32>
        %add3A_759 = arith.addf %scan3A_519, %get3A_758 : vector<16xf32>
        scf.yield %add3A_524, %add3A_529, %add3A_534, %add3A_539, %add3A_544, %add3A_549, %add3A_554, %add3A_559, %add3A_564, %add3A_569, %add3A_574, %add3A_579, %add3A_584, %add3A_589, %add3A_594, %add3A_599, %add3A_604, %add3A_609, %add3A_614, %add3A_619, %add3A_624, %add3A_629, %add3A_634, %add3A_639, %add3A_644, %add3A_649, %add3A_654, %add3A_659, %add3A_664, %add3A_669, %add3A_674, %add3A_679, %add3A_684, %add3A_689, %add3A_694, %add3A_699, %add3A_704, %add3A_709, %add3A_714, %add3A_719, %add3A_724, %add3A_729, %add3A_734, %add3A_739, %add3A_744, %add3A_749, %add3A_754, %add3A_759 : vector<16xf32>, vector<16xf32>, vector<16xf32>, vector<16xf32>, vector<16xf32>, vector<16xf32>, vector<16xf32>, vector<16xf32>, vector<16xf32>, vector<16xf32>, vector<16xf32>, vector<16xf32>, vector<16xf32>, vector<16xf32>, vector<16xf32>, vector<16xf32>, vector<16xf32>, vector<16xf32>, vector<16xf32>, vector<16xf32>, vector<16xf32>, vector<16xf32>, vector<16xf32>, vector<16xf32>, vector<16xf32>, vector<16xf32>, vector<16xf32>, vector<16xf32>, vector<16xf32>, vector<16xf32>, vector<16xf32>, vector<16xf32>, vector<16xf32>, vector<16xf32>, vector<16xf32>, vector<16xf32>, vector<16xf32>, vector<16xf32>, vector<16xf32>, vector<16xf32>, vector<16xf32>, vector<16xf32>, vector<16xf32>, vector<16xf32>, vector<16xf32>, vector<16xf32>, vector<16xf32>, vector<16xf32>
      }
      %scan3A_122 = arith.constant 64 : i32
      %mul3A_123 = arith.constant 1.562500e-02 : f32
      %mul3A_124 = vector.broadcast %mul3A_123 : f32 to vector<16xf32>
      %mul3A_125 = arith.mulf %scan3A_121#0, %mul3A_124 : vector<16xf32>
      %swap3A = arith.constant 0 : index
      %swap3A_126 = tpu.vector_load %arg12[%swap3A] {strides = array<i32>} : memref<768xf32, #tpu.memory_space<vmem>>, vector<16xf32>,
      %swap3A_127 = vector.shape_cast %swap3A_126 : vector<16xf32> to vector<16xf32>
      %swap3A_128 = vector.shape_cast %mul3A_125 : vector<16xf32> to vector<16xf32>
      tpu.vector_store %arg12[%swap3A], %swap3A_128 {strides = array<i32>} : memref<768xf32, #tpu.memory_space<vmem>>, vector<16xf32>,
      %mul3A_129 = arith.constant 1.562500e-02 : f32
      %mul3A_130 = vector.broadcast %mul3A_129 : f32 to vector<16xf32>
      %mul3A_131 = arith.mulf %scan3A_121#1, %mul3A_130 : vector<16xf32>
      %swap3A_132 = arith.constant 16 : index
      %swap3A_133 = tpu.vector_load %arg12[%swap3A_132] {strides = array<i32>} : memref<768xf32, #tpu.memory_space<vmem>>, vector<16xf32>,
      %swap3A_134 = vector.shape_cast %swap3A_133 : vector<16xf32> to vector<16xf32>
      %swap3A_135 = vector.shape_cast %mul3A_131 : vector<16xf32> to vector<16xf32>
      tpu.vector_store %arg12[%swap3A_132], %swap3A_135 {strides = array<i32>} : memref<768xf32, #tpu.memory_space<vmem>>, vector<16xf32>,
      %mul3A_136 = arith.constant 1.562500e-02 : f32
      %mul3A_137 = vector.broadcast %mul3A_136 : f32 to vector<16xf32>
      %mul3A_138 = arith.mulf %scan3A_121#2, %mul3A_137 : vector<16xf32>
      %swap3A_139 = arith.constant 32 : index
      %swap3A_140 = tpu.vector_load %arg12[%swap3A_139] {strides = array<i32>} : memref<768xf32, #tpu.memory_space<vmem>>, vector<16xf32>,
      %swap3A_141 = vector.shape_cast %swap3A_140 : vector<16xf32> to vector<16xf32>
      %swap3A_142 = vector.shape_cast %mul3A_138 : vector<16xf32> to vector<16xf32>
      tpu.vector_store %arg12[%swap3A_139], %swap3A_142 {strides = array<i32>} : memref<768xf32, #tpu.memory_space<vmem>>, vector<16xf32>,
      %mul3A_143 = arith.constant 1.562500e-02 : f32
      %mul3A_144 = vector.broadcast %mul3A_143 : f32 to vector<16xf32>
      %mul3A_145 = arith.mulf %scan3A_121#3, %mul3A_144 : vector<16xf32>
      %swap3A_146 = arith.constant 48 : index
      %swap3A_147 = tpu.vector_load %arg12[%swap3A_146] {strides = array<i32>} : memref<768xf32, #tpu.memory_space<vmem>>, vector<16xf32>,
      %swap3A_148 = vector.shape_cast %swap3A_147 : vector<16xf32> to vector<16xf32>
      %swap3A_149 = vector.shape_cast %mul3A_145 : vector<16xf32> to vector<16xf32>
      tpu.vector_store %arg12[%swap3A_146], %swap3A_149 {strides = array<i32>} : memref<768xf32, #tpu.memory_space<vmem>>, vector<16xf32>,
      %mul3A_150 = arith.constant 1.562500e-02 : f32
      %mul3A_151 = vector.broadcast %mul3A_150 : f32 to vector<16xf32>
      %mul3A_152 = arith.mulf %scan3A_121#4, %mul3A_151 : vector<16xf32>
      %swap3A_153 = arith.constant 64 : index
      %swap3A_154 = tpu.vector_load %arg12[%swap3A_153] {strides = array<i32>} : memref<768xf32, #tpu.memory_space<vmem>>, vector<16xf32>,
      %swap3A_155 = vector.shape_cast %swap3A_154 : vector<16xf32> to vector<16xf32>
      %swap3A_156 = vector.shape_cast %mul3A_152 : vector<16xf32> to vector<16xf32>
      tpu.vector_store %arg12[%swap3A_153], %swap3A_156 {strides = array<i32>} : memref<768xf32, #tpu.memory_space<vmem>>, vector<16xf32>,
      %mul3A_157 = arith.constant 1.562500e-02 : f32
      %mul3A_158 = vector.broadcast %mul3A_157 : f32 to vector<16xf32>
      %mul3A_159 = arith.mulf %scan3A_121#5, %mul3A_158 : vector<16xf32>
      %swap3A_160 = arith.constant 80 : index
      %swap3A_161 = tpu.vector_load %arg12[%swap3A_160] {strides = array<i32>} : memref<768xf32, #tpu.memory_space<vmem>>, vector<16xf32>,
      %swap3A_162 = vector.shape_cast %swap3A_161 : vector<16xf32> to vector<16xf32>
      %swap3A_163 = vector.shape_cast %mul3A_159 : vector<16xf32> to vector<16xf32>
      tpu.vector_store %arg12[%swap3A_160], %swap3A_163 {strides = array<i32>} : memref<768xf32, #tpu.memory_space<vmem>>, vector<16xf32>,
      %mul3A_164 = arith.constant 1.562500e-02 : f32
      %mul3A_165 = vector.broadcast %mul3A_164 : f32 to vector<16xf32>
      %mul3A_166 = arith.mulf %scan3A_121#6, %mul3A_165 : vector<16xf32>
      %swap3A_167 = arith.constant 96 : index
      %swap3A_168 = tpu.vector_load %arg12[%swap3A_167] {strides = array<i32>} : memref<768xf32, #tpu.memory_space<vmem>>, vector<16xf32>,
      %swap3A_169 = vector.shape_cast %swap3A_168 : vector<16xf32> to vector<16xf32>
      %swap3A_170 = vector.shape_cast %mul3A_166 : vector<16xf32> to vector<16xf32>
      tpu.vector_store %arg12[%swap3A_167], %swap3A_170 {strides = array<i32>} : memref<768xf32, #tpu.memory_space<vmem>>, vector<16xf32>,
      %mul3A_171 = arith.constant 1.562500e-02 : f32
      %mul3A_172 = vector.broadcast %mul3A_171 : f32 to vector<16xf32>
      %mul3A_173 = arith.mulf %scan3A_121#7, %mul3A_172 : vector<16xf32>
      %swap3A_174 = arith.constant 112 : index
      %swap3A_175 = tpu.vector_load %arg12[%swap3A_174] {strides = array<i32>} : memref<768xf32, #tpu.memory_space<vmem>>, vector<16xf32>,
      %swap3A_176 = vector.shape_cast %swap3A_175 : vector<16xf32> to vector<16xf32>
      %swap3A_177 = vector.shape_cast %mul3A_173 : vector<16xf32> to vector<16xf32>
      tpu.vector_store %arg12[%swap3A_174], %swap3A_177 {strides = array<i32>} : memref<768xf32, #tpu.memory_space<vmem>>, vector<16xf32>,
      %mul3A_178 = arith.constant 1.562500e-02 : f32
      %mul3A_179 = vector.broadcast %mul3A_178 : f32 to vector<16xf32>
      %mul3A_180 = arith.mulf %scan3A_121#8, %mul3A_179 : vector<16xf32>
      %swap3A_181 = arith.constant 128 : index
      %swap3A_182 = tpu.vector_load %arg12[%swap3A_181] {strides = array<i32>} : memref<768xf32, #tpu.memory_space<vmem>>, vector<16xf32>,
      %swap3A_183 = vector.shape_cast %swap3A_182 : vector<16xf32> to vector<16xf32>
      %swap3A_184 = vector.shape_cast %mul3A_180 : vector<16xf32> to vector<16xf32>
      tpu.vector_store %arg12[%swap3A_181], %swap3A_184 {strides = array<i32>} : memref<768xf32, #tpu.memory_space<vmem>>, vector<16xf32>,
      %mul3A_185 = arith.constant 1.562500e-02 : f32
      %mul3A_186 = vector.broadcast %mul3A_185 : f32 to vector<16xf32>
      %mul3A_187 = arith.mulf %scan3A_121#9, %mul3A_186 : vector<16xf32>
      %swap3A_188 = arith.constant 144 : index
      %swap3A_189 = tpu.vector_load %arg12[%swap3A_188] {strides = array<i32>} : memref<768xf32, #tpu.memory_space<vmem>>, vector<16xf32>,
      %swap3A_190 = vector.shape_cast %swap3A_189 : vector<16xf32> to vector<16xf32>
      %swap3A_191 = vector.shape_cast %mul3A_187 : vector<16xf32> to vector<16xf32>
      tpu.vector_store %arg12[%swap3A_188], %swap3A_191 {strides = array<i32>} : memref<768xf32, #tpu.memory_space<vmem>>, vector<16xf32>,
      %mul3A_192 = arith.constant 1.562500e-02 : f32
      %mul3A_193 = vector.broadcast %mul3A_192 : f32 to vector<16xf32>
      %mul3A_194 = arith.mulf %scan3A_121#10, %mul3A_193 : vector<16xf32>
      %swap3A_195 = arith.constant 160 : index
      %swap3A_196 = tpu.vector_load %arg12[%swap3A_195] {strides = array<i32>} : memref<768xf32, #tpu.memory_space<vmem>>, vector<16xf32>,
      %swap3A_197 = vector.shape_cast %swap3A_196 : vector<16xf32> to vector<16xf32>
      %swap3A_198 = vector.shape_cast %mul3A_194 : vector<16xf32> to vector<16xf32>
      tpu.vector_store %arg12[%swap3A_195], %swap3A_198 {strides = array<i32>} : memref<768xf32, #tpu.memory_space<vmem>>, vector<16xf32>,
      %mul3A_199 = arith.constant 1.562500e-02 : f32
      %mul3A_200 = vector.broadcast %mul3A_199 : f32 to vector<16xf32>
      %mul3A_201 = arith.mulf %scan3A_121#11, %mul3A_200 : vector<16xf32>
      %swap3A_202 = arith.constant 176 : index
      %swap3A_203 = tpu.vector_load %arg12[%swap3A_202] {strides = array<i32>} : memref<768xf32, #tpu.memory_space<vmem>>, vector<16xf32>,
      %swap3A_204 = vector.shape_cast %swap3A_203 : vector<16xf32> to vector<16xf32>
      %swap3A_205 = vector.shape_cast %mul3A_201 : vector<16xf32> to vector<16xf32>
      tpu.vector_store %arg12[%swap3A_202], %swap3A_205 {strides = array<i32>} : memref<768xf32, #tpu.memory_space<vmem>>, vector<16xf32>,
      %mul3A_206 = arith.constant 1.562500e-02 : f32
      %mul3A_207 = vector.broadcast %mul3A_206 : f32 to vector<16xf32>
      %mul3A_208 = arith.mulf %scan3A_121#12, %mul3A_207 : vector<16xf32>
      %swap3A_209 = arith.constant 192 : index
      %swap3A_210 = tpu.vector_load %arg12[%swap3A_209] {strides = array<i32>} : memref<768xf32, #tpu.memory_space<vmem>>, vector<16xf32>,
      %swap3A_211 = vector.shape_cast %swap3A_210 : vector<16xf32> to vector<16xf32>
      %swap3A_212 = vector.shape_cast %mul3A_208 : vector<16xf32> to vector<16xf32>
      tpu.vector_store %arg12[%swap3A_209], %swap3A_212 {strides = array<i32>} : memref<768xf32, #tpu.memory_space<vmem>>, vector<16xf32>,
      %mul3A_213 = arith.constant 1.562500e-02 : f32
      %mul3A_214 = vector.broadcast %mul3A_213 : f32 to vector<16xf32>
      %mul3A_215 = arith.mulf %scan3A_121#13, %mul3A_214 : vector<16xf32>
      %swap3A_216 = arith.constant 208 : index
      %swap3A_217 = tpu.vector_load %arg12[%swap3A_216] {strides = array<i32>} : memref<768xf32, #tpu.memory_space<vmem>>, vector<16xf32>,
      %swap3A_218 = vector.shape_cast %swap3A_217 : vector<16xf32> to vector<16xf32>
      %swap3A_219 = vector.shape_cast %mul3A_215 : vector<16xf32> to vector<16xf32>
      tpu.vector_store %arg12[%swap3A_216], %swap3A_219 {strides = array<i32>} : memref<768xf32, #tpu.memory_space<vmem>>, vector<16xf32>,
      %mul3A_220 = arith.constant 1.562500e-02 : f32
      %mul3A_221 = vector.broadcast %mul3A_220 : f32 to vector<16xf32>
      %mul3A_222 = arith.mulf %scan3A_121#14, %mul3A_221 : vector<16xf32>
      %swap3A_223 = arith.constant 224 : index
      %swap3A_224 = tpu.vector_load %arg12[%swap3A_223] {strides = array<i32>} : memref<768xf32, #tpu.memory_space<vmem>>, vector<16xf32>,
      %swap3A_225 = vector.shape_cast %swap3A_224 : vector<16xf32> to vector<16xf32>
      %swap3A_226 = vector.shape_cast %mul3A_222 : vector<16xf32> to vector<16xf32>
      tpu.vector_store %arg12[%swap3A_223], %swap3A_226 {strides = array<i32>} : memref<768xf32, #tpu.memory_space<vmem>>, vector<16xf32>,
      %mul3A_227 = arith.constant 1.562500e-02 : f32
      %mul3A_228 = vector.broadcast %mul3A_227 : f32 to vector<16xf32>
      %mul3A_229 = arith.mulf %scan3A_121#15, %mul3A_228 : vector<16xf32>
      %swap3A_230 = arith.constant 240 : index
      %swap3A_231 = tpu.vector_load %arg12[%swap3A_230] {strides = array<i32>} : memref<768xf32, #tpu.memory_space<vmem>>, vector<16xf32>,
      %swap3A_232 = vector.shape_cast %swap3A_231 : vector<16xf32> to vector<16xf32>
      %swap3A_233 = vector.shape_cast %mul3A_229 : vector<16xf32> to vector<16xf32>
      tpu.vector_store %arg12[%swap3A_230], %swap3A_233 {strides = array<i32>} : memref<768xf32, #tpu.memory_space<vmem>>, vector<16xf32>,
      %mul3A_234 = arith.constant 1.562500e-02 : f32
      %mul3A_235 = vector.broadcast %mul3A_234 : f32 to vector<16xf32>
      %mul3A_236 = arith.mulf %scan3A_121#16, %mul3A_235 : vector<16xf32>
      %swap3A_237 = arith.constant 256 : index
      %swap3A_238 = tpu.vector_load %arg12[%swap3A_237] {strides = array<i32>} : memref<768xf32, #tpu.memory_space<vmem>>, vector<16xf32>,
      %swap3A_239 = vector.shape_cast %swap3A_238 : vector<16xf32> to vector<16xf32>
      %swap3A_240 = vector.shape_cast %mul3A_236 : vector<16xf32> to vector<16xf32>
      tpu.vector_store %arg12[%swap3A_237], %swap3A_240 {strides = array<i32>} : memref<768xf32, #tpu.memory_space<vmem>>, vector<16xf32>,
      %mul3A_241 = arith.constant 1.562500e-02 : f32
      %mul3A_242 = vector.broadcast %mul3A_241 : f32 to vector<16xf32>
      %mul3A_243 = arith.mulf %scan3A_121#17, %mul3A_242 : vector<16xf32>
      %swap3A_244 = arith.constant 272 : index
      %swap3A_245 = tpu.vector_load %arg12[%swap3A_244] {strides = array<i32>} : memref<768xf32, #tpu.memory_space<vmem>>, vector<16xf32>,
      %swap3A_246 = vector.shape_cast %swap3A_245 : vector<16xf32> to vector<16xf32>
      %swap3A_247 = vector.shape_cast %mul3A_243 : vector<16xf32> to vector<16xf32>
      tpu.vector_store %arg12[%swap3A_244], %swap3A_247 {strides = array<i32>} : memref<768xf32, #tpu.memory_space<vmem>>, vector<16xf32>,
      %mul3A_248 = arith.constant 1.562500e-02 : f32
      %mul3A_249 = vector.broadcast %mul3A_248 : f32 to vector<16xf32>
      %mul3A_250 = arith.mulf %scan3A_121#18, %mul3A_249 : vector<16xf32>
      %swap3A_251 = arith.constant 288 : index
      %swap3A_252 = tpu.vector_load %arg12[%swap3A_251] {strides = array<i32>} : memref<768xf32, #tpu.memory_space<vmem>>, vector<16xf32>,
      %swap3A_253 = vector.shape_cast %swap3A_252 : vector<16xf32> to vector<16xf32>
      %swap3A_254 = vector.shape_cast %mul3A_250 : vector<16xf32> to vector<16xf32>
      tpu.vector_store %arg12[%swap3A_251], %swap3A_254 {strides = array<i32>} : memref<768xf32, #tpu.memory_space<vmem>>, vector<16xf32>,
      %mul3A_255 = arith.constant 1.562500e-02 : f32
      %mul3A_256 = vector.broadcast %mul3A_255 : f32 to vector<16xf32>
      %mul3A_257 = arith.mulf %scan3A_121#19, %mul3A_256 : vector<16xf32>
      %swap3A_258 = arith.constant 304 : index
      %swap3A_259 = tpu.vector_load %arg12[%swap3A_258] {strides = array<i32>} : memref<768xf32, #tpu.memory_space<vmem>>, vector<16xf32>,
      %swap3A_260 = vector.shape_cast %swap3A_259 : vector<16xf32> to vector<16xf32>
      %swap3A_261 = vector.shape_cast %mul3A_257 : vector<16xf32> to vector<16xf32>
      tpu.vector_store %arg12[%swap3A_258], %swap3A_261 {strides = array<i32>} : memref<768xf32, #tpu.memory_space<vmem>>, vector<16xf32>,
      %mul3A_262 = arith.constant 1.562500e-02 : f32
      %mul3A_263 = vector.broadcast %mul3A_262 : f32 to vector<16xf32>
      %mul3A_264 = arith.mulf %scan3A_121#20, %mul3A_263 : vector<16xf32>
      %swap3A_265 = arith.constant 320 : index
      %swap3A_266 = tpu.vector_load %arg12[%swap3A_265] {strides = array<i32>} : memref<768xf32, #tpu.memory_space<vmem>>, vector<16xf32>,
      %swap3A_267 = vector.shape_cast %swap3A_266 : vector<16xf32> to vector<16xf32>
      %swap3A_268 = vector.shape_cast %mul3A_264 : vector<16xf32> to vector<16xf32>
      tpu.vector_store %arg12[%swap3A_265], %swap3A_268 {strides = array<i32>} : memref<768xf32, #tpu.memory_space<vmem>>, vector<16xf32>,
      %mul3A_269 = arith.constant 1.562500e-02 : f32
      %mul3A_270 = vector.broadcast %mul3A_269 : f32 to vector<16xf32>
      %mul3A_271 = arith.mulf %scan3A_121#21, %mul3A_270 : vector<16xf32>
      %swap3A_272 = arith.constant 336 : index
      %swap3A_273 = tpu.vector_load %arg12[%swap3A_272] {strides = array<i32>} : memref<768xf32, #tpu.memory_space<vmem>>, vector<16xf32>,
      %swap3A_274 = vector.shape_cast %swap3A_273 : vector<16xf32> to vector<16xf32>
      %swap3A_275 = vector.shape_cast %mul3A_271 : vector<16xf32> to vector<16xf32>
      tpu.vector_store %arg12[%swap3A_272], %swap3A_275 {strides = array<i32>} : memref<768xf32, #tpu.memory_space<vmem>>, vector<16xf32>,
      %mul3A_276 = arith.constant 1.562500e-02 : f32
      %mul3A_277 = vector.broadcast %mul3A_276 : f32 to vector<16xf32>
      %mul3A_278 = arith.mulf %scan3A_121#22, %mul3A_277 : vector<16xf32>
      %swap3A_279 = arith.constant 352 : index
      %swap3A_280 = tpu.vector_load %arg12[%swap3A_279] {strides = array<i32>} : memref<768xf32, #tpu.memory_space<vmem>>, vector<16xf32>,
      %swap3A_281 = vector.shape_cast %swap3A_280 : vector<16xf32> to vector<16xf32>
      %swap3A_282 = vector.shape_cast %mul3A_278 : vector<16xf32> to vector<16xf32>
      tpu.vector_store %arg12[%swap3A_279], %swap3A_282 {strides = array<i32>} : memref<768xf32, #tpu.memory_space<vmem>>, vector<16xf32>,
      %mul3A_283 = arith.constant 1.562500e-02 : f32
      %mul3A_284 = vector.broadcast %mul3A_283 : f32 to vector<16xf32>
      %mul3A_285 = arith.mulf %scan3A_121#23, %mul3A_284 : vector<16xf32>
      %swap3A_286 = arith.constant 368 : index
      %swap3A_287 = tpu.vector_load %arg12[%swap3A_286] {strides = array<i32>} : memref<768xf32, #tpu.memory_space<vmem>>, vector<16xf32>,
      %swap3A_288 = vector.shape_cast %swap3A_287 : vector<16xf32> to vector<16xf32>
      %swap3A_289 = vector.shape_cast %mul3A_285 : vector<16xf32> to vector<16xf32>
      tpu.vector_store %arg12[%swap3A_286], %swap3A_289 {strides = array<i32>} : memref<768xf32, #tpu.memory_space<vmem>>, vector<16xf32>,
      %mul3A_290 = arith.constant 1.562500e-02 : f32
      %mul3A_291 = vector.broadcast %mul3A_290 : f32 to vector<16xf32>
      %mul3A_292 = arith.mulf %scan3A_121#24, %mul3A_291 : vector<16xf32>
      %swap3A_293 = arith.constant 384 : index
      %swap3A_294 = tpu.vector_load %arg12[%swap3A_293] {strides = array<i32>} : memref<768xf32, #tpu.memory_space<vmem>>, vector<16xf32>,
      %swap3A_295 = vector.shape_cast %swap3A_294 : vector<16xf32> to vector<16xf32>
      %swap3A_296 = vector.shape_cast %mul3A_292 : vector<16xf32> to vector<16xf32>
      tpu.vector_store %arg12[%swap3A_293], %swap3A_296 {strides = array<i32>} : memref<768xf32, #tpu.memory_space<vmem>>, vector<16xf32>,
      %mul3A_297 = arith.constant 1.562500e-02 : f32
      %mul3A_298 = vector.broadcast %mul3A_297 : f32 to vector<16xf32>
      %mul3A_299 = arith.mulf %scan3A_121#25, %mul3A_298 : vector<16xf32>
      %swap3A_300 = arith.constant 400 : index
      %swap3A_301 = tpu.vector_load %arg12[%swap3A_300] {strides = array<i32>} : memref<768xf32, #tpu.memory_space<vmem>>, vector<16xf32>,
      %swap3A_302 = vector.shape_cast %swap3A_301 : vector<16xf32> to vector<16xf32>
      %swap3A_303 = vector.shape_cast %mul3A_299 : vector<16xf32> to vector<16xf32>
      tpu.vector_store %arg12[%swap3A_300], %swap3A_303 {strides = array<i32>} : memref<768xf32, #tpu.memory_space<vmem>>, vector<16xf32>,
      %mul3A_304 = arith.constant 1.562500e-02 : f32
      %mul3A_305 = vector.broadcast %mul3A_304 : f32 to vector<16xf32>
      %mul3A_306 = arith.mulf %scan3A_121#26, %mul3A_305 : vector<16xf32>
      %swap3A_307 = arith.constant 416 : index
      %swap3A_308 = tpu.vector_load %arg12[%swap3A_307] {strides = array<i32>} : memref<768xf32, #tpu.memory_space<vmem>>, vector<16xf32>,
      %swap3A_309 = vector.shape_cast %swap3A_308 : vector<16xf32> to vector<16xf32>
      %swap3A_310 = vector.shape_cast %mul3A_306 : vector<16xf32> to vector<16xf32>
      tpu.vector_store %arg12[%swap3A_307], %swap3A_310 {strides = array<i32>} : memref<768xf32, #tpu.memory_space<vmem>>, vector<16xf32>,
      %mul3A_311 = arith.constant 1.562500e-02 : f32
      %mul3A_312 = vector.broadcast %mul3A_311 : f32 to vector<16xf32>
      %mul3A_313 = arith.mulf %scan3A_121#27, %mul3A_312 : vector<16xf32>
      %swap3A_314 = arith.constant 432 : index
      %swap3A_315 = tpu.vector_load %arg12[%swap3A_314] {strides = array<i32>} : memref<768xf32, #tpu.memory_space<vmem>>, vector<16xf32>,
      %swap3A_316 = vector.shape_cast %swap3A_315 : vector<16xf32> to vector<16xf32>
      %swap3A_317 = vector.shape_cast %mul3A_313 : vector<16xf32> to vector<16xf32>
      tpu.vector_store %arg12[%swap3A_314], %swap3A_317 {strides = array<i32>} : memref<768xf32, #tpu.memory_space<vmem>>, vector<16xf32>,
      %mul3A_318 = arith.constant 1.562500e-02 : f32
      %mul3A_319 = vector.broadcast %mul3A_318 : f32 to vector<16xf32>
      %mul3A_320 = arith.mulf %scan3A_121#28, %mul3A_319 : vector<16xf32>
      %swap3A_321 = arith.constant 448 : index
      %swap3A_322 = tpu.vector_load %arg12[%swap3A_321] {strides = array<i32>} : memref<768xf32, #tpu.memory_space<vmem>>, vector<16xf32>,
      %swap3A_323 = vector.shape_cast %swap3A_322 : vector<16xf32> to vector<16xf32>
      %swap3A_324 = vector.shape_cast %mul3A_320 : vector<16xf32> to vector<16xf32>
      tpu.vector_store %arg12[%swap3A_321], %swap3A_324 {strides = array<i32>} : memref<768xf32, #tpu.memory_space<vmem>>, vector<16xf32>,
      %mul3A_325 = arith.constant 1.562500e-02 : f32
      %mul3A_326 = vector.broadcast %mul3A_325 : f32 to vector<16xf32>
      %mul3A_327 = arith.mulf %scan3A_121#29, %mul3A_326 : vector<16xf32>
      %swap3A_328 = arith.constant 464 : index
      %swap3A_329 = tpu.vector_load %arg12[%swap3A_328] {strides = array<i32>} : memref<768xf32, #tpu.memory_space<vmem>>, vector<16xf32>,
      %swap3A_330 = vector.shape_cast %swap3A_329 : vector<16xf32> to vector<16xf32>
      %swap3A_331 = vector.shape_cast %mul3A_327 : vector<16xf32> to vector<16xf32>
      tpu.vector_store %arg12[%swap3A_328], %swap3A_331 {strides = array<i32>} : memref<768xf32, #tpu.memory_space<vmem>>, vector<16xf32>,
      %mul3A_332 = arith.constant 1.562500e-02 : f32
      %mul3A_333 = vector.broadcast %mul3A_332 : f32 to vector<16xf32>
      %mul3A_334 = arith.mulf %scan3A_121#30, %mul3A_333 : vector<16xf32>
      %swap3A_335 = arith.constant 480 : index
      %swap3A_336 = tpu.vector_load %arg12[%swap3A_335] {strides = array<i32>} : memref<768xf32, #tpu.memory_space<vmem>>, vector<16xf32>,
      %swap3A_337 = vector.shape_cast %swap3A_336 : vector<16xf32> to vector<16xf32>
      %swap3A_338 = vector.shape_cast %mul3A_334 : vector<16xf32> to vector<16xf32>
      tpu.vector_store %arg12[%swap3A_335], %swap3A_338 {strides = array<i32>} : memref<768xf32, #tpu.memory_space<vmem>>, vector<16xf32>,
      %mul3A_339 = arith.constant 1.562500e-02 : f32
      %mul3A_340 = vector.broadcast %mul3A_339 : f32 to vector<16xf32>
      %mul3A_341 = arith.mulf %scan3A_121#31, %mul3A_340 : vector<16xf32>
      %swap3A_342 = arith.constant 496 : index
      %swap3A_343 = tpu.vector_load %arg12[%swap3A_342] {strides = array<i32>} : memref<768xf32, #tpu.memory_space<vmem>>, vector<16xf32>,
      %swap3A_344 = vector.shape_cast %swap3A_343 : vector<16xf32> to vector<16xf32>
      %swap3A_345 = vector.shape_cast %mul3A_341 : vector<16xf32> to vector<16xf32>
      tpu.vector_store %arg12[%swap3A_342], %swap3A_345 {strides = array<i32>} : memref<768xf32, #tpu.memory_space<vmem>>, vector<16xf32>,
      %mul3A_346 = arith.constant 1.562500e-02 : f32
      %mul3A_347 = vector.broadcast %mul3A_346 : f32 to vector<16xf32>
      %mul3A_348 = arith.mulf %scan3A_121#32, %mul3A_347 : vector<16xf32>
      %swap3A_349 = arith.constant 512 : index
      %swap3A_350 = tpu.vector_load %arg12[%swap3A_349] {strides = array<i32>} : memref<768xf32, #tpu.memory_space<vmem>>, vector<16xf32>,
      %swap3A_351 = vector.shape_cast %swap3A_350 : vector<16xf32> to vector<16xf32>
      %swap3A_352 = vector.shape_cast %mul3A_348 : vector<16xf32> to vector<16xf32>
      tpu.vector_store %arg12[%swap3A_349], %swap3A_352 {strides = array<i32>} : memref<768xf32, #tpu.memory_space<vmem>>, vector<16xf32>,
      %mul3A_353 = arith.constant 1.562500e-02 : f32
      %mul3A_354 = vector.broadcast %mul3A_353 : f32 to vector<16xf32>
      %mul3A_355 = arith.mulf %scan3A_121#33, %mul3A_354 : vector<16xf32>
      %swap3A_356 = arith.constant 528 : index
      %swap3A_357 = tpu.vector_load %arg12[%swap3A_356] {strides = array<i32>} : memref<768xf32, #tpu.memory_space<vmem>>, vector<16xf32>,
      %swap3A_358 = vector.shape_cast %swap3A_357 : vector<16xf32> to vector<16xf32>
      %swap3A_359 = vector.shape_cast %mul3A_355 : vector<16xf32> to vector<16xf32>
      tpu.vector_store %arg12[%swap3A_356], %swap3A_359 {strides = array<i32>} : memref<768xf32, #tpu.memory_space<vmem>>, vector<16xf32>,
      %mul3A_360 = arith.constant 1.562500e-02 : f32
      %mul3A_361 = vector.broadcast %mul3A_360 : f32 to vector<16xf32>
      %mul3A_362 = arith.mulf %scan3A_121#34, %mul3A_361 : vector<16xf32>
      %swap3A_363 = arith.constant 544 : index
      %swap3A_364 = tpu.vector_load %arg12[%swap3A_363] {strides = array<i32>} : memref<768xf32, #tpu.memory_space<vmem>>, vector<16xf32>,
      %swap3A_365 = vector.shape_cast %swap3A_364 : vector<16xf32> to vector<16xf32>
      %swap3A_366 = vector.shape_cast %mul3A_362 : vector<16xf32> to vector<16xf32>
      tpu.vector_store %arg12[%swap3A_363], %swap3A_366 {strides = array<i32>} : memref<768xf32, #tpu.memory_space<vmem>>, vector<16xf32>,
      %mul3A_367 = arith.constant 1.562500e-02 : f32
      %mul3A_368 = vector.broadcast %mul3A_367 : f32 to vector<16xf32>
      %mul3A_369 = arith.mulf %scan3A_121#35, %mul3A_368 : vector<16xf32>
      %swap3A_370 = arith.constant 560 : index
      %swap3A_371 = tpu.vector_load %arg12[%swap3A_370] {strides = array<i32>} : memref<768xf32, #tpu.memory_space<vmem>>, vector<16xf32>,
      %swap3A_372 = vector.shape_cast %swap3A_371 : vector<16xf32> to vector<16xf32>
      %swap3A_373 = vector.shape_cast %mul3A_369 : vector<16xf32> to vector<16xf32>
      tpu.vector_store %arg12[%swap3A_370], %swap3A_373 {strides = array<i32>} : memref<768xf32, #tpu.memory_space<vmem>>, vector<16xf32>,
      %mul3A_374 = arith.constant 1.562500e-02 : f32
      %mul3A_375 = vector.broadcast %mul3A_374 : f32 to vector<16xf32>
      %mul3A_376 = arith.mulf %scan3A_121#36, %mul3A_375 : vector<16xf32>
      %swap3A_377 = arith.constant 576 : index
      %swap3A_378 = tpu.vector_load %arg12[%swap3A_377] {strides = array<i32>} : memref<768xf32, #tpu.memory_space<vmem>>, vector<16xf32>,
      %swap3A_379 = vector.shape_cast %swap3A_378 : vector<16xf32> to vector<16xf32>
      %swap3A_380 = vector.shape_cast %mul3A_376 : vector<16xf32> to vector<16xf32>
      tpu.vector_store %arg12[%swap3A_377], %swap3A_380 {strides = array<i32>} : memref<768xf32, #tpu.memory_space<vmem>>, vector<16xf32>,
      %mul3A_381 = arith.constant 1.562500e-02 : f32
      %mul3A_382 = vector.broadcast %mul3A_381 : f32 to vector<16xf32>
      %mul3A_383 = arith.mulf %scan3A_121#37, %mul3A_382 : vector<16xf32>
      %swap3A_384 = arith.constant 592 : index
      %swap3A_385 = tpu.vector_load %arg12[%swap3A_384] {strides = array<i32>} : memref<768xf32, #tpu.memory_space<vmem>>, vector<16xf32>,
      %swap3A_386 = vector.shape_cast %swap3A_385 : vector<16xf32> to vector<16xf32>
      %swap3A_387 = vector.shape_cast %mul3A_383 : vector<16xf32> to vector<16xf32>
      tpu.vector_store %arg12[%swap3A_384], %swap3A_387 {strides = array<i32>} : memref<768xf32, #tpu.memory_space<vmem>>, vector<16xf32>,
      %mul3A_388 = arith.constant 1.562500e-02 : f32
      %mul3A_389 = vector.broadcast %mul3A_388 : f32 to vector<16xf32>
      %mul3A_390 = arith.mulf %scan3A_121#38, %mul3A_389 : vector<16xf32>
      %swap3A_391 = arith.constant 608 : index
      %swap3A_392 = tpu.vector_load %arg12[%swap3A_391] {strides = array<i32>} : memref<768xf32, #tpu.memory_space<vmem>>, vector<16xf32>,
      %swap3A_393 = vector.shape_cast %swap3A_392 : vector<16xf32> to vector<16xf32>
      %swap3A_394 = vector.shape_cast %mul3A_390 : vector<16xf32> to vector<16xf32>
      tpu.vector_store %arg12[%swap3A_391], %swap3A_394 {strides = array<i32>} : memref<768xf32, #tpu.memory_space<vmem>>, vector<16xf32>,
      %mul3A_395 = arith.constant 1.562500e-02 : f32
      %mul3A_396 = vector.broadcast %mul3A_395 : f32 to vector<16xf32>
      %mul3A_397 = arith.mulf %scan3A_121#39, %mul3A_396 : vector<16xf32>
      %swap3A_398 = arith.constant 624 : index
      %swap3A_399 = tpu.vector_load %arg12[%swap3A_398] {strides = array<i32>} : memref<768xf32, #tpu.memory_space<vmem>>, vector<16xf32>,
      %swap3A_400 = vector.shape_cast %swap3A_399 : vector<16xf32> to vector<16xf32>
      %swap3A_401 = vector.shape_cast %mul3A_397 : vector<16xf32> to vector<16xf32>
      tpu.vector_store %arg12[%swap3A_398], %swap3A_401 {strides = array<i32>} : memref<768xf32, #tpu.memory_space<vmem>>, vector<16xf32>,
      %mul3A_402 = arith.constant 1.562500e-02 : f32
      %mul3A_403 = vector.broadcast %mul3A_402 : f32 to vector<16xf32>
      %mul3A_404 = arith.mulf %scan3A_121#40, %mul3A_403 : vector<16xf32>
      %swap3A_405 = arith.constant 640 : index
      %swap3A_406 = tpu.vector_load %arg12[%swap3A_405] {strides = array<i32>} : memref<768xf32, #tpu.memory_space<vmem>>, vector<16xf32>,
      %swap3A_407 = vector.shape_cast %swap3A_406 : vector<16xf32> to vector<16xf32>
      %swap3A_408 = vector.shape_cast %mul3A_404 : vector<16xf32> to vector<16xf32>
      tpu.vector_store %arg12[%swap3A_405], %swap3A_408 {strides = array<i32>} : memref<768xf32, #tpu.memory_space<vmem>>, vector<16xf32>,
      %mul3A_409 = arith.constant 1.562500e-02 : f32
      %mul3A_410 = vector.broadcast %mul3A_409 : f32 to vector<16xf32>
      %mul3A_411 = arith.mulf %scan3A_121#41, %mul3A_410 : vector<16xf32>
      %swap3A_412 = arith.constant 656 : index
      %swap3A_413 = tpu.vector_load %arg12[%swap3A_412] {strides = array<i32>} : memref<768xf32, #tpu.memory_space<vmem>>, vector<16xf32>,
      %swap3A_414 = vector.shape_cast %swap3A_413 : vector<16xf32> to vector<16xf32>
      %swap3A_415 = vector.shape_cast %mul3A_411 : vector<16xf32> to vector<16xf32>
      tpu.vector_store %arg12[%swap3A_412], %swap3A_415 {strides = array<i32>} : memref<768xf32, #tpu.memory_space<vmem>>, vector<16xf32>,
      %mul3A_416 = arith.constant 1.562500e-02 : f32
      %mul3A_417 = vector.broadcast %mul3A_416 : f32 to vector<16xf32>
      %mul3A_418 = arith.mulf %scan3A_121#42, %mul3A_417 : vector<16xf32>
      %swap3A_419 = arith.constant 672 : index
      %swap3A_420 = tpu.vector_load %arg12[%swap3A_419] {strides = array<i32>} : memref<768xf32, #tpu.memory_space<vmem>>, vector<16xf32>,
      %swap3A_421 = vector.shape_cast %swap3A_420 : vector<16xf32> to vector<16xf32>
      %swap3A_422 = vector.shape_cast %mul3A_418 : vector<16xf32> to vector<16xf32>
      tpu.vector_store %arg12[%swap3A_419], %swap3A_422 {strides = array<i32>} : memref<768xf32, #tpu.memory_space<vmem>>, vector<16xf32>,
      %mul3A_423 = arith.constant 1.562500e-02 : f32
      %mul3A_424 = vector.broadcast %mul3A_423 : f32 to vector<16xf32>
      %mul3A_425 = arith.mulf %scan3A_121#43, %mul3A_424 : vector<16xf32>
      %swap3A_426 = arith.constant 688 : index
      %swap3A_427 = tpu.vector_load %arg12[%swap3A_426] {strides = array<i32>} : memref<768xf32, #tpu.memory_space<vmem>>, vector<16xf32>,
      %swap3A_428 = vector.shape_cast %swap3A_427 : vector<16xf32> to vector<16xf32>
      %swap3A_429 = vector.shape_cast %mul3A_425 : vector<16xf32> to vector<16xf32>
      tpu.vector_store %arg12[%swap3A_426], %swap3A_429 {strides = array<i32>} : memref<768xf32, #tpu.memory_space<vmem>>, vector<16xf32>,
      %mul3A_430 = arith.constant 1.562500e-02 : f32
      %mul3A_431 = vector.broadcast %mul3A_430 : f32 to vector<16xf32>
      %mul3A_432 = arith.mulf %scan3A_121#44, %mul3A_431 : vector<16xf32>
      %swap3A_433 = arith.constant 704 : index
      %swap3A_434 = tpu.vector_load %arg12[%swap3A_433] {strides = array<i32>} : memref<768xf32, #tpu.memory_space<vmem>>, vector<16xf32>,
      %swap3A_435 = vector.shape_cast %swap3A_434 : vector<16xf32> to vector<16xf32>
      %swap3A_436 = vector.shape_cast %mul3A_432 : vector<16xf32> to vector<16xf32>
      tpu.vector_store %arg12[%swap3A_433], %swap3A_436 {strides = array<i32>} : memref<768xf32, #tpu.memory_space<vmem>>, vector<16xf32>,
      %mul3A_437 = arith.constant 1.562500e-02 : f32
      %mul3A_438 = vector.broadcast %mul3A_437 : f32 to vector<16xf32>
      %mul3A_439 = arith.mulf %scan3A_121#45, %mul3A_438 : vector<16xf32>
      %swap3A_440 = arith.constant 720 : index
      %swap3A_441 = tpu.vector_load %arg12[%swap3A_440] {strides = array<i32>} : memref<768xf32, #tpu.memory_space<vmem>>, vector<16xf32>,
      %swap3A_442 = vector.shape_cast %swap3A_441 : vector<16xf32> to vector<16xf32>
      %swap3A_443 = vector.shape_cast %mul3A_439 : vector<16xf32> to vector<16xf32>
      tpu.vector_store %arg12[%swap3A_440], %swap3A_443 {strides = array<i32>} : memref<768xf32, #tpu.memory_space<vmem>>, vector<16xf32>,
      %mul3A_444 = arith.constant 1.562500e-02 : f32
      %mul3A_445 = vector.broadcast %mul3A_444 : f32 to vector<16xf32>
      %mul3A_446 = arith.mulf %scan3A_121#46, %mul3A_445 : vector<16xf32>
      %swap3A_447 = arith.constant 736 : index
      %swap3A_448 = tpu.vector_load %arg12[%swap3A_447] {strides = array<i32>} : memref<768xf32, #tpu.memory_space<vmem>>, vector<16xf32>,
      %swap3A_449 = vector.shape_cast %swap3A_448 : vector<16xf32> to vector<16xf32>
      %swap3A_450 = vector.shape_cast %mul3A_446 : vector<16xf32> to vector<16xf32>
      tpu.vector_store %arg12[%swap3A_447], %swap3A_450 {strides = array<i32>} : memref<768xf32, #tpu.memory_space<vmem>>, vector<16xf32>,
      %mul3A_451 = arith.constant 1.562500e-02 : f32
      %mul3A_452 = vector.broadcast %mul3A_451 : f32 to vector<16xf32>
      %mul3A_453 = arith.mulf %scan3A_121#47, %mul3A_452 : vector<16xf32>
      %swap3A_454 = arith.constant 752 : index
      %swap3A_455 = tpu.vector_load %arg12[%swap3A_454] {strides = array<i32>} : memref<768xf32, #tpu.memory_space<vmem>>, vector<16xf32>,
      %swap3A_456 = vector.shape_cast %swap3A_455 : vector<16xf32> to vector<16xf32>
      %swap3A_457 = vector.shape_cast %mul3A_453 : vector<16xf32> to vector<16xf32>
      tpu.vector_store %arg12[%swap3A_454], %swap3A_457 {strides = array<i32>} : memref<768xf32, #tpu.memory_space<vmem>>, vector<16xf32>,
      "tpu.region"() ({
        %run_scoped3A = tpu.sem_alloc : memref<!tpu.dma_semaphore, #tpu.memory_space<semaphore_mem>>
        %dma_start3A_471 = arith.constant 0 : i32
        %dma_start3A_472 = tpu.memref_slice %arg6[%multiple_of3A, %dma_start3A_471] : memref<512x768xf32, #tpu.memory_space<hbm>> -> memref<1x768xf32, #tpu.memory_space<hbm>>
        %dma_start3A_473 = tpu.memref_squeeze %dma_start3A_472 : memref<1x768xf32, #tpu.memory_space<hbm>> -> memref<768xf32, #tpu.memory_space<hbm>>
        %dma_start3A_474 = arith.constant 0 : i32
        %dma_start3A_475 = tpu.memref_slice %arg6[%multiple_of3A, %dma_start3A_474] : memref<512x768xf32, #tpu.memory_space<hbm>> -> memref<1x768xf32, #tpu.memory_space<hbm>>
        %dma_start3A_476 = tpu.memref_squeeze %dma_start3A_475 : memref<1x768xf32, #tpu.memory_space<hbm>> -> memref<768xf32, #tpu.memory_space<hbm>>
        tpu.enqueue_dma source(%arg12 : memref<768xf32, #tpu.memory_space<vmem>>) target(%dma_start3A_476 : memref<768xf32, #tpu.memory_space<hbm>>) target_semaphore(%run_scoped3A : memref<!tpu.dma_semaphore, #tpu.memory_space<semaphore_mem>>)
        %dma_wait3A_477 = arith.constant 0 : i32
        %dma_wait3A_478 = tpu.memref_slice %arg6[%multiple_of3A, %dma_wait3A_477] : memref<512x768xf32, #tpu.memory_space<hbm>> -> memref<1x768xf32, #tpu.memory_space<hbm>>
        %dma_wait3A_479 = tpu.memref_squeeze %dma_wait3A_478 : memref<1x768xf32, #tpu.memory_space<hbm>> -> memref<768xf32, #tpu.memory_space<hbm>>
        %dma_wait3A_480 = arith.constant 0 : i32
        %dma_wait3A_481 = tpu.memref_slice %arg6[%multiple_of3A, %dma_wait3A_480] : memref<512x768xf32, #tpu.memory_space<hbm>> -> memref<1x768xf32, #tpu.memory_space<hbm>>
        %dma_wait3A_482 = tpu.memref_squeeze %dma_wait3A_481 : memref<1x768xf32, #tpu.memory_space<hbm>> -> memref<768xf32, #tpu.memory_space<hbm>>
        tpu.wait_dma2 semaphore(%run_scoped3A : memref<!tpu.dma_semaphore, #tpu.memory_space<semaphore_mem>>) src(%arg12 : memref<768xf32, #tpu.memory_space<vmem>>) dst(%dma_wait3A_482 : memref<768xf32, #tpu.memory_space<hbm>>)
        tpu.yield
      }) : () -> ()
      %dma_wait3A_458 = arith.constant 0 : i32
      %dma_wait3A_459 = arith.constant 0 : i32
      %dma_wait3A_460 = tpu.memref_slice %arg3[%dma_wait3A_458, %dma_wait3A_459] : memref<80000x128xf32, #tpu.memory_space<hbm>> -> memref<80000x128xf32, #tpu.memory_space<hbm>>
      tpu.wait_indirect_dma semaphore(%arg14 : memref<!tpu.dma_semaphore, #tpu.memory_space<semaphore_mem>>) src(%dma_wait3A_460 : memref<80000x128xf32, #tpu.memory_space<hbm>>) dst(%arg10 : memref<64x128xf32, #tpu.memory_space<vmem>>)
      %get3A = arith.constant 0 : index
      %get3A_461 = tpu.vector_load %arg11[%get3A] {strides = array<i32>} : memref<16xf32, #tpu.memory_space<vmem>>, vector<16xf32>,
      %get3A_462 = vector.shape_cast %get3A_461 : vector<16xf32> to vector<16xf32>
      %scan3A_463 = arith.constant 0 : i32
      %scan3A_464 = arith.constant 0 : i32
      %scan3A_465 = arith.constant 64 : i32
      %scan3A_466 = arith.addi %scan3A_464, %scan3A_465 : i32
      %scan3A_467 = arith.constant 1 : i32
      %scan3A_468 = scf.for %scan3A_471 = %scan3A_464 to %scan3A_466 step %scan3A_467 iter_args(%scan3A_472 = %scan3A_463) -> (i32)  : i32 {
        %get3A_473 = arith.index_cast %scan3A_471 : i32 to index
        %get3A_474 = arith.constant 0 : index
        %get3A_475 = tpu.vector_load %arg10[%get3A_473, %get3A_474] {strides = array<i32>} : memref<64x128xf32, #tpu.memory_space<vmem>>, vector<1x16xf32>,
        %get3A_476 = vector.shape_cast %get3A_475 : vector<1x16xf32> to vector<16xf32>
        %sub3A = arith.subf %get3A_476, %get3A_462 : vector<16xf32>
        %swap3A_477 = arith.index_cast %scan3A_471 : i32 to index
        %swap3A_478 = arith.constant 0 : index
        %swap3A_479 = tpu.vector_load %arg10[%swap3A_477, %swap3A_478] {strides = array<i32>} : memref<64x128xf32, #tpu.memory_space<vmem>>, vector<1x16xf32>,
        %swap3A_480 = vector.shape_cast %swap3A_479 : vector<1x16xf32> to vector<16xf32>
        %swap3A_481 = vector.shape_cast %sub3A : vector<16xf32> to vector<1x16xf32>
        tpu.vector_store %arg10[%swap3A_477, %swap3A_478], %swap3A_481 {strides = array<i32>} : memref<64x128xf32, #tpu.memory_space<vmem>>, vector<1x16xf32>,
        %scan3A_482 = arith.constant 0 : i32
        scf.yield %scan3A_482 : i32
      }
      %scan3A_469 = arith.constant 64 : i32
      "tpu.region"() ({
        %run_scoped3A = tpu.sem_alloc : memref<!tpu.dma_semaphore, #tpu.memory_space<semaphore_mem>>
        %dma_start3A_471 = arith.constant 0 : i32
        %dma_start3A_472 = tpu.memref_slice %arg7[%multiple_of3A_14, %dma_start3A_471] : memref<32768x128xf32, #tpu.memory_space<hbm>> -> memref<64x128xf32, #tpu.memory_space<hbm>>
        %dma_start3A_473 = arith.constant 0 : i32
        %dma_start3A_474 = tpu.memref_slice %arg7[%multiple_of3A_14, %dma_start3A_473] : memref<32768x128xf32, #tpu.memory_space<hbm>> -> memref<64x128xf32, #tpu.memory_space<hbm>>
        tpu.enqueue_dma source(%arg10 : memref<64x128xf32, #tpu.memory_space<vmem>>) target(%dma_start3A_474 : memref<64x128xf32, #tpu.memory_space<hbm>>) target_semaphore(%run_scoped3A : memref<!tpu.dma_semaphore, #tpu.memory_space<semaphore_mem>>)
        %dma_wait3A_475 = arith.constant 0 : i32
        %dma_wait3A_476 = tpu.memref_slice %arg7[%multiple_of3A_14, %dma_wait3A_475] : memref<32768x128xf32, #tpu.memory_space<hbm>> -> memref<64x128xf32, #tpu.memory_space<hbm>>
        %dma_wait3A_477 = arith.constant 0 : i32
        %dma_wait3A_478 = tpu.memref_slice %arg7[%multiple_of3A_14, %dma_wait3A_477] : memref<32768x128xf32, #tpu.memory_space<hbm>> -> memref<64x128xf32, #tpu.memory_space<hbm>>
        tpu.wait_dma2 semaphore(%run_scoped3A : memref<!tpu.dma_semaphore, #tpu.memory_space<semaphore_mem>>) src(%arg10 : memref<64x128xf32, #tpu.memory_space<vmem>>) dst(%dma_wait3A_478 : memref<64x128xf32, #tpu.memory_space<hbm>>)
        tpu.yield
      }) : () -> ()
      %scan3A_470 = arith.constant 0 : i32
      scf.yield %scan3A_470 : i32
    }
    %scan3A_8 = arith.constant 16 : i32
    return
  }
}

module attributes {stable_mosaic.version = 14 : i64} {
  func.func @_fps_body(%arg0: i32, %arg1: memref<1x3x8x5000xf32, #tpu.memory_space<vmem>>, %arg2: memref<1x256x3xf32, #tpu.memory_space<vmem>>) attributes {dimension_semantics = [#tpu.dimension_semantics<arbitrary>], iteration_bounds = array<i64: 2>, scalar_prefetch = 0 : i64, scratch_operands = 0 : i64, tpu.core_type = #tpu.core_type<tc>, window_params = [{transform_indices = @transform_0, window_bounds = array<i64: 1, 3, 8, 5000>}, {transform_indices = @transform_1, window_bounds = array<i64: 1, 256, 3>}]} {
    %get3A = arith.constant 0 : index
    %get3A_0 = arith.constant 0 : index
    %get3A_1 = arith.constant 0 : index
    %get3A_2 = arith.constant 0 : index
    %get3A_3 = vector.load %arg1[%get3A, %get3A_0, %get3A_1, %get3A_2] : memref<1x3x8x5000xf32, #tpu.memory_space<vmem>>, vector<1x1x8x5000xf32>
    %get3A_4 = vector.shape_cast %get3A_3 : vector<1x1x8x5000xf32> to vector<8x5000xf32>
    %get3A_5 = arith.constant 0 : index
    %get3A_6 = arith.constant 1 : index
    %get3A_7 = arith.constant 0 : index
    %get3A_8 = arith.constant 0 : index
    %get3A_9 = vector.load %arg1[%get3A_5, %get3A_6, %get3A_7, %get3A_8] : memref<1x3x8x5000xf32, #tpu.memory_space<vmem>>, vector<1x1x8x5000xf32>
    %get3A_10 = vector.shape_cast %get3A_9 : vector<1x1x8x5000xf32> to vector<8x5000xf32>
    %get3A_11 = arith.constant 0 : index
    %get3A_12 = arith.constant 2 : index
    %get3A_13 = arith.constant 0 : index
    %get3A_14 = arith.constant 0 : index
    %get3A_15 = vector.load %arg1[%get3A_11, %get3A_12, %get3A_13, %get3A_14] : memref<1x3x8x5000xf32, #tpu.memory_space<vmem>>, vector<1x1x8x5000xf32>
    %get3A_16 = vector.shape_cast %get3A_15 : vector<1x1x8x5000xf32> to vector<8x5000xf32>
    %iota3A = tpu.iota {dimensions = array<i32: 0>} : vector<8x5000xi32>
    %iota3A_17 = tpu.iota {dimensions = array<i32: 1>} : vector<8x5000xi32>
    %mul3A = arith.constant 5000 : i32
    %mul3A_18 = vector.broadcast %mul3A : i32 to vector<8x5000xi32>
    %mul3A_19 = arith.muli %iota3A, %mul3A_18 : vector<8x5000xi32>
    %add3A = arith.addi %mul3A_19, %iota3A_17 : vector<8x5000xi32>
    %broadcast_in_dim3A = arith.constant 1.000000e+10 : f32
    %broadcast_in_dim3A_20 = vector.broadcast %broadcast_in_dim3A : f32 to vector<8x5000xf32>
    %scan3A = arith.constant 0 : i32
    %scan3A_21 = arith.constant 0 : i32
    %scan3A_22 = arith.constant 256 : i32
    %scan3A_23 = arith.addi %scan3A_21, %scan3A_22 : i32
    %scan3A_24 = arith.constant 1 : i32
    %scan3A_25:2 = scf.for %scan3A_27 = %scan3A_21 to %scan3A_23 step %scan3A_24 iter_args(%scan3A_28 = %broadcast_in_dim3A_20, %scan3A_29 = %scan3A) -> (vector<8x5000xf32>, i32)  : i32 {
      %eq3A = vector.broadcast %scan3A_29 : i32 to vector<8x5000xi32>
      %eq3A_30 = arith.cmpi eq, %add3A, %eq3A : vector<8x5000xi32>
      %jit3A = arith.constant 0.000000e+00 : f32
      %broadcast_in_dim3A_31 = vector.broadcast %jit3A : f32 to vector<8x5000xf32>
      %select_n3A = arith.select %eq3A_30, %get3A_4, %broadcast_in_dim3A_31 : vector<8x5000xi1>, vector<8x5000xf32>
      %reduce_sum3A = vector.shape_cast %select_n3A : vector<8x5000xf32> to vector<1x8x5000xf32>
      %reduce_sum3A_32 = arith.constant dense<0.000000e+00> : vector<1xf32>
      %reduce_sum3A_33 = vector.multi_reduction <add>, %reduce_sum3A, %reduce_sum3A_32 [1, 2] : vector<1x8x5000xf32> to vector<1xf32>
      %reduce_sum3A_34 = vector.shape_cast %reduce_sum3A_33 : vector<1xf32> to vector<1x1x1xf32>
      %reduce_sum3A_35 = vector.extract %reduce_sum3A_34[0, 0, 0] : f32 from vector<1x1x1xf32>
      %jit3A_36 = arith.constant 0.000000e+00 : f32
      %broadcast_in_dim3A_37 = vector.broadcast %jit3A_36 : f32 to vector<8x5000xf32>
      %select_n3A_38 = arith.select %eq3A_30, %get3A_10, %broadcast_in_dim3A_37 : vector<8x5000xi1>, vector<8x5000xf32>
      %reduce_sum3A_39 = vector.shape_cast %select_n3A_38 : vector<8x5000xf32> to vector<1x8x5000xf32>
      %reduce_sum3A_40 = arith.constant dense<0.000000e+00> : vector<1xf32>
      %reduce_sum3A_41 = vector.multi_reduction <add>, %reduce_sum3A_39, %reduce_sum3A_40 [1, 2] : vector<1x8x5000xf32> to vector<1xf32>
      %reduce_sum3A_42 = vector.shape_cast %reduce_sum3A_41 : vector<1xf32> to vector<1x1x1xf32>
      %reduce_sum3A_43 = vector.extract %reduce_sum3A_42[0, 0, 0] : f32 from vector<1x1x1xf32>
      %jit3A_44 = arith.constant 0.000000e+00 : f32
      %broadcast_in_dim3A_45 = vector.broadcast %jit3A_44 : f32 to vector<8x5000xf32>
      %select_n3A_46 = arith.select %eq3A_30, %get3A_16, %broadcast_in_dim3A_45 : vector<8x5000xi1>, vector<8x5000xf32>
      %reduce_sum3A_47 = vector.shape_cast %select_n3A_46 : vector<8x5000xf32> to vector<1x8x5000xf32>
      %reduce_sum3A_48 = arith.constant dense<0.000000e+00> : vector<1xf32>
      %reduce_sum3A_49 = vector.multi_reduction <add>, %reduce_sum3A_47, %reduce_sum3A_48 [1, 2] : vector<1x8x5000xf32> to vector<1xf32>
      %reduce_sum3A_50 = vector.shape_cast %reduce_sum3A_49 : vector<1xf32> to vector<1x1x1xf32>
      %reduce_sum3A_51 = vector.extract %reduce_sum3A_50[0, 0, 0] : f32 from vector<1x1x1xf32>
      %reshape3A = vector.broadcast %reduce_sum3A_35 : f32 to vector<1x1xf32>
      %reshape3A_52 = vector.broadcast %reduce_sum3A_43 : f32 to vector<1x1xf32>
      %reshape3A_53 = vector.broadcast %reduce_sum3A_51 : f32 to vector<1x1xf32>
      %concatenate3A = tpu.concatenate %reshape3A, %reshape3A_52, %reshape3A_53 in 1 : vector<1x1xf32>, vector<1x1xf32>, vector<1x1xf32> -> vector<1x3xf32>
      %swap3A = arith.constant 0 : index
      %swap3A_54 = arith.index_cast %scan3A_27 : i32 to index
      %swap3A_55 = arith.constant 0 : index
      %swap3A_56 = vector.load %arg2[%swap3A, %swap3A_54, %swap3A_55] : memref<1x256x3xf32, #tpu.memory_space<vmem>>, vector<1x1x3xf32>
      %swap3A_57 = vector.shape_cast %swap3A_56 : vector<1x1x3xf32> to vector<1x3xf32>
      %swap3A_58 = vector.shape_cast %concatenate3A : vector<1x3xf32> to vector<1x1x3xf32>
      tpu.vector_store %arg2[%swap3A, %swap3A_54, %swap3A_55], %swap3A_58 {strides = array<i32>} : memref<1x256x3xf32, #tpu.memory_space<vmem>>, vector<1x1x3xf32>,
      %sub3A = vector.broadcast %reduce_sum3A_35 : f32 to vector<8x5000xf32>
      %sub3A_59 = arith.subf %get3A_4, %sub3A : vector<8x5000xf32>
      %integer_pow3A = arith.mulf %sub3A_59, %sub3A_59 : vector<8x5000xf32>
      %sub3A_60 = vector.broadcast %reduce_sum3A_43 : f32 to vector<8x5000xf32>
      %sub3A_61 = arith.subf %get3A_10, %sub3A_60 : vector<8x5000xf32>
      %integer_pow3A_62 = arith.mulf %sub3A_61, %sub3A_61 : vector<8x5000xf32>
      %add3A_63 = arith.addf %integer_pow3A, %integer_pow3A_62 : vector<8x5000xf32>
      %sub3A_64 = vector.broadcast %reduce_sum3A_51 : f32 to vector<8x5000xf32>
      %sub3A_65 = arith.subf %get3A_16, %sub3A_64 : vector<8x5000xf32>
      %integer_pow3A_66 = arith.mulf %sub3A_65, %sub3A_65 : vector<8x5000xf32>
      %add3A_67 = arith.addf %add3A_63, %integer_pow3A_66 : vector<8x5000xf32>
      %min3A = arith.minimumf %scan3A_28, %add3A_67 : vector<8x5000xf32>
      %reduce_max3A = vector.shape_cast %min3A : vector<8x5000xf32> to vector<1x8x5000xf32>
      %reduce_max3A_68 = arith.constant dense<0xFF800000> : vector<1xf32>
      %reduce_max3A_69 = vector.multi_reduction <maximumf>, %reduce_max3A, %reduce_max3A_68 [1, 2] : vector<1x8x5000xf32> to vector<1xf32>
      %reduce_max3A_70 = vector.shape_cast %reduce_max3A_69 : vector<1xf32> to vector<1x1x1xf32>
      %reduce_max3A_71 = vector.extract %reduce_max3A_70[0, 0, 0] : f32 from vector<1x1x1xf32>
      %eq3A_72 = vector.broadcast %reduce_max3A_71 : f32 to vector<8x5000xf32>
      %eq3A_73 = arith.cmpf oeq, %min3A, %eq3A_72 : vector<8x5000xf32>
      %jit3A_74 = arith.constant 1073741824 : i32
      %broadcast_in_dim3A_75 = vector.broadcast %jit3A_74 : i32 to vector<8x5000xi32>
      %select_n3A_76 = arith.select %eq3A_73, %add3A, %broadcast_in_dim3A_75 : vector<8x5000xi1>, vector<8x5000xi32>
      %reduce_min3A = vector.shape_cast %select_n3A_76 : vector<8x5000xi32> to vector<1x8x5000xi32>
      %reduce_min3A_77 = arith.constant dense<2147483647> : vector<1xi32>
      %reduce_min3A_78 = vector.multi_reduction <minsi>, %reduce_min3A, %reduce_min3A_77 [1, 2] : vector<1x8x5000xi32> to vector<1xi32>
      %reduce_min3A_79 = vector.shape_cast %reduce_min3A_78 : vector<1xi32> to vector<1x1x1xi32>
      %reduce_min3A_80 = vector.extract %reduce_min3A_79[0, 0, 0] : i32 from vector<1x1x1xi32>
      scf.yield %min3A, %reduce_min3A_80 : vector<8x5000xf32>, i32
    }
    %scan3A_26 = arith.constant 256 : i32
    return
  }
  func.func @transform_0(%arg0: i32) -> (i32, i32, i32, i32) {
    %c0_i32 = arith.constant 0 : i32
    %c0_i32_0 = arith.constant 0 : i32
    %c0_i32_1 = arith.constant 0 : i32
    %c0_i32_2 = arith.constant 0 : i32
    return %arg0, %c0_i32, %c0_i32_0, %c0_i32_1 : i32, i32, i32, i32
  }
  func.func @transform_1(%arg0: i32) -> (i32, i32, i32) {
    %c0_i32 = arith.constant 0 : i32
    %c0_i32_0 = arith.constant 0 : i32
    %c0_i32_1 = arith.constant 0 : i32
    return %arg0, %c0_i32, %c0_i32_0 : i32, i32, i32
  }
}

module attributes {stable_mosaic.version = 14 : i64} {
  func.func @_knn_body(%arg0: i32, %arg1: i32, %arg2: memref<1x3x40960xf32, #tpu.memory_space<vmem>>, %arg3: memref<1x32x3xf32, #tpu.memory_space<vmem>>, %arg4: memref<1x1x32x64xi32, #tpu.memory_space<vmem>>, %arg5: memref<32x40960xf32, #tpu.memory_space<vmem>>) attributes {dimension_semantics = [#tpu.dimension_semantics<arbitrary>, #tpu.dimension_semantics<arbitrary>], iteration_bounds = array<i64: 2, 8>, scalar_prefetch = 0 : i64, scratch_operands = 1 : i64, tpu.core_type = #tpu.core_type<tc>, window_params = [{transform_indices = @transform_0, window_bounds = array<i64: 1, 3, 40960>}, {transform_indices = @transform_1, window_bounds = array<i64: 1, 32, 3>}, {transform_indices = @transform_2, window_bounds = array<i64: 1, 1, 32, 64>}]} {
    %get3A = arith.constant 0 : index
    %get3A_0 = arith.constant 0 : index
    %get3A_1 = arith.constant 0 : index
    %get3A_2 = vector.load %arg2[%get3A, %get3A_0, %get3A_1] : memref<1x3x40960xf32, #tpu.memory_space<vmem>>, vector<1x1x40960xf32>
    %get3A_3 = vector.shape_cast %get3A_2 : vector<1x1x40960xf32> to vector<1x40960xf32>
    %get3A_4 = arith.constant 0 : index
    %get3A_5 = arith.constant 1 : index
    %get3A_6 = arith.constant 0 : index
    %get3A_7 = vector.load %arg2[%get3A_4, %get3A_5, %get3A_6] : memref<1x3x40960xf32, #tpu.memory_space<vmem>>, vector<1x1x40960xf32>
    %get3A_8 = vector.shape_cast %get3A_7 : vector<1x1x40960xf32> to vector<1x40960xf32>
    %get3A_9 = arith.constant 0 : index
    %get3A_10 = arith.constant 2 : index
    %get3A_11 = arith.constant 0 : index
    %get3A_12 = vector.load %arg2[%get3A_9, %get3A_10, %get3A_11] : memref<1x3x40960xf32, #tpu.memory_space<vmem>>, vector<1x1x40960xf32>
    %get3A_13 = vector.shape_cast %get3A_12 : vector<1x1x40960xf32> to vector<1x40960xf32>
    %get3A_14 = arith.constant 0 : index
    %get3A_15 = arith.constant 0 : index
    %get3A_16 = arith.constant 0 : index
    %get3A_17 = vector.load %arg3[%get3A_14, %get3A_15, %get3A_16] : memref<1x32x3xf32, #tpu.memory_space<vmem>>, vector<1x32x1xf32>
    %get3A_18 = vector.shape_cast %get3A_17 : vector<1x32x1xf32> to vector<32x1xf32>
    %get3A_19 = arith.constant 0 : index
    %get3A_20 = arith.constant 0 : index
    %get3A_21 = arith.constant 1 : index
    %get3A_22 = vector.load %arg3[%get3A_19, %get3A_20, %get3A_21] : memref<1x32x3xf32, #tpu.memory_space<vmem>>, vector<1x32x1xf32>
    %get3A_23 = vector.shape_cast %get3A_22 : vector<1x32x1xf32> to vector<32x1xf32>
    %get3A_24 = arith.constant 0 : index
    %get3A_25 = arith.constant 0 : index
    %get3A_26 = arith.constant 2 : index
    %get3A_27 = vector.load %arg3[%get3A_24, %get3A_25, %get3A_26] : memref<1x32x3xf32, #tpu.memory_space<vmem>>, vector<1x32x1xf32>
    %get3A_28 = vector.shape_cast %get3A_27 : vector<1x32x1xf32> to vector<32x1xf32>
    %mul3A = arith.mulf %get3A_3, %get3A_3 : vector<1x40960xf32>
    %mul3A_29 = arith.mulf %get3A_8, %get3A_8 : vector<1x40960xf32>
    %add3A = arith.addf %mul3A, %mul3A_29 : vector<1x40960xf32>
    %mul3A_30 = arith.mulf %get3A_13, %get3A_13 : vector<1x40960xf32>
    %add3A_31 = arith.addf %add3A, %mul3A_30 : vector<1x40960xf32>
    %mul3A_32 = arith.mulf %get3A_18, %get3A_18 : vector<32x1xf32>
    %mul3A_33 = arith.mulf %get3A_23, %get3A_23 : vector<32x1xf32>
    %add3A_34 = arith.addf %mul3A_32, %mul3A_33 : vector<32x1xf32>
    %mul3A_35 = arith.mulf %get3A_28, %get3A_28 : vector<32x1xf32>
    %add3A_36 = arith.addf %add3A_34, %mul3A_35 : vector<32x1xf32>
    %convert_element_type3A = arith.truncf %get3A_3 : vector<1x40960xf32> to vector<1x40960xbf16>
    %convert_element_type3A_37 = arith.extf %convert_element_type3A : vector<1x40960xbf16> to vector<1x40960xf32>
    %convert_element_type3A_38 = arith.truncf %get3A_8 : vector<1x40960xf32> to vector<1x40960xbf16>
    %convert_element_type3A_39 = arith.extf %convert_element_type3A_38 : vector<1x40960xbf16> to vector<1x40960xf32>
    %convert_element_type3A_40 = arith.truncf %get3A_13 : vector<1x40960xf32> to vector<1x40960xbf16>
    %convert_element_type3A_41 = arith.extf %convert_element_type3A_40 : vector<1x40960xbf16> to vector<1x40960xf32>
    %convert_element_type3A_42 = arith.truncf %get3A_18 : vector<32x1xf32> to vector<32x1xbf16>
    %convert_element_type3A_43 = arith.extf %convert_element_type3A_42 : vector<32x1xbf16> to vector<32x1xf32>
    %convert_element_type3A_44 = arith.truncf %get3A_23 : vector<32x1xf32> to vector<32x1xbf16>
    %convert_element_type3A_45 = arith.extf %convert_element_type3A_44 : vector<32x1xbf16> to vector<32x1xf32>
    %convert_element_type3A_46 = arith.truncf %get3A_28 : vector<32x1xf32> to vector<32x1xbf16>
    %convert_element_type3A_47 = arith.extf %convert_element_type3A_46 : vector<32x1xbf16> to vector<32x1xf32>
    %iota3A = tpu.iota {dimensions = array<i32: 1>} : vector<32x40960xi32>
    %mul3A_48 = vector.broadcast %convert_element_type3A_43 : vector<32x1xf32> to vector<32x40960xf32>
    %mul3A_49 = vector.broadcast %convert_element_type3A_37 : vector<1x40960xf32> to vector<32x40960xf32>
    %mul3A_50 = arith.mulf %mul3A_48, %mul3A_49 : vector<32x40960xf32>
    %mul3A_51 = vector.broadcast %convert_element_type3A_45 : vector<32x1xf32> to vector<32x40960xf32>
    %mul3A_52 = vector.broadcast %convert_element_type3A_39 : vector<1x40960xf32> to vector<32x40960xf32>
    %mul3A_53 = arith.mulf %mul3A_51, %mul3A_52 : vector<32x40960xf32>
    %add3A_54 = arith.addf %mul3A_50, %mul3A_53 : vector<32x40960xf32>
    %mul3A_55 = vector.broadcast %convert_element_type3A_47 : vector<32x1xf32> to vector<32x40960xf32>
    %mul3A_56 = vector.broadcast %convert_element_type3A_41 : vector<1x40960xf32> to vector<32x40960xf32>
    %mul3A_57 = arith.mulf %mul3A_55, %mul3A_56 : vector<32x40960xf32>
    %add3A_58 = arith.addf %add3A_54, %mul3A_57 : vector<32x40960xf32>
    %mul3A_59 = arith.constant 2.000000e+00 : f32
    %mul3A_60 = vector.broadcast %mul3A_59 : f32 to vector<32x40960xf32>
    %mul3A_61 = arith.mulf %mul3A_60, %add3A_58 : vector<32x40960xf32>
    %sub3A = vector.broadcast %add3A_36 : vector<32x1xf32> to vector<32x40960xf32>
    %sub3A_62 = arith.subf %sub3A, %mul3A_61 : vector<32x40960xf32>
    %add3A_63 = vector.broadcast %add3A_31 : vector<1x40960xf32> to vector<32x40960xf32>
    %add3A_64 = arith.addf %sub3A_62, %add3A_63 : vector<32x40960xf32>
    %lt3A = arith.constant 40000 : i32
    %lt3A_65 = vector.broadcast %lt3A : i32 to vector<32x40960xi32>
    %lt3A_66 = arith.cmpi slt, %iota3A, %lt3A_65 : vector<32x40960xi32>
    %jit3A = arith.constant 0x7F800000 : f32
    %broadcast_in_dim3A = vector.broadcast %jit3A : f32 to vector<32x40960xf32>
    %select_n3A = arith.select %lt3A_66, %add3A_64, %broadcast_in_dim3A : vector<32x40960xi1>, vector<32x40960xf32>
    %swap3A = arith.constant 0 : index
    %swap3A_67 = arith.constant 0 : index
    %swap3A_68 = vector.load %arg5[%swap3A, %swap3A_67] : memref<32x40960xf32, #tpu.memory_space<vmem>>, vector<32x40960xf32>
    tpu.vector_store %arg5[%swap3A, %swap3A_67], %select_n3A {strides = array<i32>} : memref<32x40960xf32, #tpu.memory_space<vmem>>, vector<32x40960xf32>,
    %iota3A_69 = tpu.iota {dimensions = array<i32: 1>} : vector<32x64xi32>
    %broadcast_in_dim3A_70 = arith.constant 0 : i32
    %broadcast_in_dim3A_71 = vector.broadcast %broadcast_in_dim3A_70 : i32 to vector<32x64xi32>
    %scan3A = arith.constant 0 : i32
    %scan3A_72 = arith.constant 64 : i32
    %scan3A_73 = arith.addi %scan3A, %scan3A_72 : i32
    %scan3A_74 = arith.constant 1 : i32
    %scan3A_75 = scf.for %scan3A_84 = %scan3A to %scan3A_73 step %scan3A_74 iter_args(%scan3A_85 = %broadcast_in_dim3A_71) -> (vector<32x64xi32>)  : i32 {
      %get3A_86 = arith.constant 0 : index
      %get3A_87 = arith.constant 0 : index
      %get3A_88 = vector.load %arg5[%get3A_86, %get3A_87] : memref<32x40960xf32, #tpu.memory_space<vmem>>, vector<32x40960xf32>
      %reduce_min3A = arith.constant dense<0x7F800000> : vector<32xf32>
      %reduce_min3A_89 = vector.multi_reduction <minimumf>, %get3A_88, %reduce_min3A [1] : vector<32x40960xf32> to vector<32xf32>
      %broadcast_in_dim3A_90 = vector.shape_cast %reduce_min3A_89 : vector<32xf32> to vector<32x1xf32>
      %eq3A = vector.broadcast %broadcast_in_dim3A_90 : vector<32x1xf32> to vector<32x40960xf32>
      %eq3A_91 = arith.cmpf oeq, %get3A_88, %eq3A : vector<32x40960xf32>
      %jit3A_92 = arith.constant 1073741824 : i32
      %broadcast_in_dim3A_93 = vector.broadcast %jit3A_92 : i32 to vector<32x40960xi32>
      %select_n3A_94 = arith.select %eq3A_91, %iota3A, %broadcast_in_dim3A_93 : vector<32x40960xi1>, vector<32x40960xi32>
      %reduce_min3A_95 = arith.constant dense<2147483647> : vector<32xi32>
      %reduce_min3A_96 = vector.multi_reduction <minsi>, %select_n3A_94, %reduce_min3A_95 [1] : vector<32x40960xi32> to vector<32xi32>
      %broadcast_in_dim3A_97 = vector.shape_cast %reduce_min3A_96 : vector<32xi32> to vector<32x1xi32>
      %eq3A_98 = vector.broadcast %broadcast_in_dim3A_97 : vector<32x1xi32> to vector<32x40960xi32>
      %eq3A_99 = arith.cmpi eq, %iota3A, %eq3A_98 : vector<32x40960xi32>
      %jit3A_100 = arith.constant 0x7F800000 : f32
      %broadcast_in_dim3A_101 = vector.broadcast %jit3A_100 : f32 to vector<32x40960xf32>
      %select_n3A_102 = arith.select %eq3A_99, %broadcast_in_dim3A_101, %get3A_88 : vector<32x40960xi1>, vector<32x40960xf32>
      %swap3A_103 = arith.constant 0 : index
      %swap3A_104 = arith.constant 0 : index
      %swap3A_105 = vector.load %arg5[%swap3A_103, %swap3A_104] : memref<32x40960xf32, #tpu.memory_space<vmem>>, vector<32x40960xf32>
      tpu.vector_store %arg5[%swap3A_103, %swap3A_104], %select_n3A_102 {strides = array<i32>} : memref<32x40960xf32, #tpu.memory_space<vmem>>, vector<32x40960xf32>,
      %eq3A_106 = vector.broadcast %scan3A_84 : i32 to vector<32x64xi32>
      %eq3A_107 = arith.cmpi eq, %iota3A_69, %eq3A_106 : vector<32x64xi32>
      %broadcast_in_dim3A_108 = vector.shape_cast %broadcast_in_dim3A_97 : vector<32x1xi32> to vector<32x1xi32>
      %broadcast_in_dim3A_109 = vector.broadcast %broadcast_in_dim3A_108 : vector<32x1xi32> to vector<32x64xi32>
      %select_n3A_110 = arith.select %eq3A_107, %broadcast_in_dim3A_109, %scan3A_85 : vector<32x64xi1>, vector<32x64xi32>
      scf.yield %select_n3A_110 : vector<32x64xi32>
    }
    %scan3A_76 = arith.constant 64 : i32
    %swap3A_77 = arith.constant 0 : index
    %swap3A_78 = arith.constant 0 : index
    %swap3A_79 = arith.constant 0 : index
    %swap3A_80 = arith.constant 0 : index
    %swap3A_81 = vector.load %arg4[%swap3A_77, %swap3A_78, %swap3A_79, %swap3A_80] : memref<1x1x32x64xi32, #tpu.memory_space<vmem>>, vector<1x1x32x64xi32>
    %swap3A_82 = vector.shape_cast %swap3A_81 : vector<1x1x32x64xi32> to vector<32x64xi32>
    %swap3A_83 = vector.shape_cast %scan3A_75 : vector<32x64xi32> to vector<1x1x32x64xi32>
    tpu.vector_store %arg4[%swap3A_77, %swap3A_78, %swap3A_79, %swap3A_80], %swap3A_83 {strides = array<i32>} : memref<1x1x32x64xi32, #tpu.memory_space<vmem>>, vector<1x1x32x64xi32>,
    return
  }
  func.func @transform_0(%arg0: i32, %arg1: i32) -> (i32, i32, i32) {
    %c0_i32 = arith.constant 0 : i32
    %c0_i32_0 = arith.constant 0 : i32
    %c0_i32_1 = arith.constant 0 : i32
    return %arg0, %c0_i32, %c0_i32_0 : i32, i32, i32
  }
  func.func @transform_1(%arg0: i32, %arg1: i32) -> (i32, i32, i32) {
    %c0_i32 = arith.constant 0 : i32
    %c0_i32_0 = arith.constant 0 : i32
    return %arg0, %arg1, %c0_i32 : i32, i32, i32
  }
  func.func @transform_2(%arg0: i32, %arg1: i32) -> (i32, i32, i32, i32) {
    %c0_i32 = arith.constant 0 : i32
    %c0_i32_0 = arith.constant 0 : i32
    %c0_i32_1 = arith.constant 0 : i32
    return %arg0, %arg1, %c0_i32, %c0_i32_0 : i32, i32, i32, i32
  }
}

</mosaic_0001>

<sc_bundles>
// kernel: kernel.5.cloned.1.call-start
scs
__scs_entry_jumppad:
0x0: {  	(pc) =	sbr.rel $0x88, $3  }
0x1: {  	(tag) =	ssettag $0x0;
	lr =	simm.s32 $0x1  }
0x2: {  	[smem:$0x3F9F] =	sst lr;
	_ =	strace $0xD0000000  }
0x3: {  	_ = 	snop  }
0x4: {  	_ = 	snop  }
0x5: {  	_ = 	snop  }
0x6: {  	_ = 	snop  }
0x7: {  	_ = 	snop  }
__scs_overlays_trampoline_lowered:
0x8: {  	[smem:$0x3FAE] =	sst s0  }
0x9: {  	[smem:$0x3FAF] =	sst s1  }
0xa: {  	[smem:$0x3FB0] =	sst s2  }
0xb: {  	[smem:$0x3FB1] =	sst s3  }
0xc: {  	[smem:$0x3FB2] =	sst s4  }
0xd: {  	[smem:$0x3FB3] =	sst s5  }
0xe: {  	[smem:$0x3FB4] =	sst s6  }
0xf: {  	[smem:$0x3FB5] =	sst s7  }
0x10: {  	[smem:$0x3FB6] =	sst s8  }
0x11: {  	[smem:$0x3FB7] =	sst s9;
	s0 =	simm.s32 @!p0 $0x0  }
0x12: {  	s1 =	sld [smem:$0x3F9D];
	s0 =	simm.s32 @p0 $0x1  }
0x13: {  	[smem:$0x3FB8] =	sst s0;
	s0 =	simm.s32 @!p1 $0x0  }
0x14: {  	s2 =	sld [smem:$0x3F9C];
	s0 =	simm.s32 @p1 $0x1  }
0x15: {  	[smem:$0x3FB9] =	sst s0;
	s0 =	simm.s32 @!p2 $0x0  }
0x16: {  	s3 =	sld [smem:$0x3FDB];
	s0 =	simm.s32 @p2 $0x1  }
0x17: {  	s4 =	simm.s32 $0x1BF5;
	[smem:$0x3FBB] =	sst s0  }
0x18: {  	s0 =	sld [smem:$0x3F9E];
	_ =	swait.ge [sflag:s4], $0x0  }
0x19: {  	s7 =	sld [smem:$0x3F9F]  }
0x1a: {  	s8 =	sadd.s32 $0xFFFFE003, lr  }
0x1b: {  	s9 =	sadd.s32 $0xFFFFFEF7, lr;
	s5 =	simm.s32 $0xFFFFFFFF;
	p2 =	slt.u32 s8, $0xFFFFF086  }
0x1c: {  	p1 =	slt.u32 s9, $0xF7A;
	s5 =	simm.s32 @!p2 $0x0  }
0x1d: {  	s5 =	simm.s32 @p1 $0x1;
	p0 =	seq.s32 s7, s2  }
0x1e: {  	s7 =	smul.u32 @!p0 $0xF7A, s2;
	p2 =	seq.s32 @!p0 s5, $0x0  }
0x1f: {  	s9 =	smul.u32 $0xF7A, s1;
	s8 =	simm.s32 @!p0 $0x1BF5;
	p2 =	por !p2, p0  }
0x20: {  	[sflag:s8] =	ssyncset.s32 @!p0 $0xFFFFF086;
	s6 =	sadd.s32 @!p0 s3, s7;
	s7 =	simm.s32 @!p0 $0x108  }
0x21: {  	s3 =	sadd.s32 s3, s9;
	s6 =	sadd.s32 @!p0 $0x88, s6;
	s7 =	simm.s32 @p2 $0x1082  }
0x22: {  	[simem:s7], [sflag:s8] =	dma.local @!p0 [hbm:s6], $0xF7A  }
0x23: {  	s9 =	sor.u32 $0xD0000000, s2;
	s6 =	simm.s32 $0x108;
	_ =	swait.ge @!p0 [sflag:s8], $0x0  }
0x24: {  	s3 =	sadd.s32 $0x88, s3;
	s6 =	simm.s32 @!p1 $0x1082;
	[sflag:s4] =	ssyncset.s32 $0xFFFFF086  }
0x25: {  	[simem:s6], [sflag:s4] =	dma.local [hbm:s3], $0xF7A  }
0x26: {  	[smem:$0x3F9F] =	sst s1;
	(tag) =	ssettag s2;
	_ =	strace s9  }
0x27: {  	s1 =	sld [smem:$0x3FAF]  }
0x28: {  	s2 =	sld [smem:$0x3FB0]  }
0x29: {  	s4 =	sld [smem:$0x3FB2]  }
0x2a: {  	p0 =	seq.s32 s5, $0x0;
	s5 =	sld [smem:$0x3FB3]  }
0x2b: {  	s6 =	sld [smem:$0x3FB4]  }
0x2c: {  	s7 =	sld [smem:$0x3FB5]  }
0x2d: {  	s3 =	simm.s32 $0x108;
	s8 =	sld [smem:$0x3FB6]  }
0x2e: {  	s3 =	simm.s32 @!p0 $0x1082;
	s9 =	sld [smem:$0x3FB7]  }
0x2f: {  	lr =	sadd.s32 s0, s3;
	s0 =	sld [smem:$0x3FAE]  }
0x30: {  	s3 =	sld [smem:$0x3FB1]  }
0x31: {  	[smem:$0x3FBA] =	sst s10  }
0x32: {  	s10 =	sld [smem:$0x3FB8];
	_ =	sdelay $0x3  }
0x33: {  	p0 =	seq.s32 s10, $0x1;
	s10 =	sld [smem:$0x3FBA];
	_ =	sdelay $0x3  }
0x34: {  	[smem:$0x3FBA] =	sst s10  }
0x35: {  	s10 =	sld [smem:$0x3FB9];
	_ =	sdelay $0x3  }
0x36: {  	p1 =	seq.s32 s10, $0x1;
	s10 =	sld [smem:$0x3FBA];
	_ =	sdelay $0x3  }
0x37: {  	[smem:$0x3FBA] =	sst s10  }
0x38: {  	s10 =	sld [smem:$0x3FBB]  }
0x39: {  	_ = 	snop;
	(pc) =	sbr.ind lr, $3  }
0x3a: {  	_ = 	snop  }
0x3b: {  	_ = 	snop  }
0x3c: {  	p2 =	seq.s32 s10, $0x1;
	s10 =	sld [smem:$0x3FBA]  }
0x3d: {  	_ =	shalt  }
0x3e: {  	_ =	shalt  }
0x3f: {  	_ =	shalt  }
0x40: {  	_ =	shalt  }
0x41: {  	_ =	shalt  }
0x42: {  	_ =	shalt  }
0x43: {  	_ =	shalt  }
0x44: {  	_ =	shalt  }
0x45: {  	_ =	shalt  }
0x46: {  	_ =	shalt  }
0x47: {  	_ =	shalt  }
0x48: {  	_ =	shalt  }
0x49: {  	_ =	shalt  }
0x4a: {  	_ =	shalt  }
0x4b: {  	_ =	shalt  }
0x4c: {  	_ =	shalt  }
0x4d: {  	_ =	shalt  }
0x4e: {  	_ =	shalt  }
0x4f: {  	_ =	shalt  }
0x50: {  	_ =	shalt  }
0x51: {  	_ =	shalt  }
0x52: {  	_ =	shalt  }
0x53: {  	_ =	shalt  }
0x54: {  	_ =	shalt  }
0x55: {  	_ =	shalt  }
0x56: {  	_ =	shalt  }
0x57: {  	_ =	shalt  }
0x58: {  	_ =	shalt  }
0x59: {  	_ =	shalt  }
0x5a: {  	_ =	shalt  }
0x5b: {  	_ =	shalt  }
0x5c: {  	_ =	shalt  }
0x5d: {  	_ =	shalt  }
0x5e: {  	_ =	shalt  }
0x5f: {  	_ =	shalt  }
0x60: {  	_ =	shalt  }
0x61: {  	_ =	shalt  }
0x62: {  	_ =	shalt  }
0x63: {  	_ =	shalt  }
0x64: {  	_ =	shalt  }
0x65: {  	_ =	shalt  }
0x66: {  	_ =	shalt  }
0x67: {  	_ =	shalt  }
0x68: {  	_ =	shalt  }
0x69: {  	_ =	shalt  }
0x6a: {  	_ =	shalt  }
0x6b: {  	_ =	shalt  }
0x6c: {  	_ =	shalt  }
0x6d: {  	_ =	shalt  }
0x6e: {  	_ =	shalt  }
0x6f: {  	_ =	shalt  }
0x70: {  	_ =	shalt  }
0x71: {  	_ =	shalt  }
0x72: {  	_ =	shalt  }
0x73: {  	_ =	shalt  }
0x74: {  	_ =	shalt  }
0x75: {  	_ =	shalt  }
0x76: {  	_ =	shalt  }
0x77: {  	_ =	shalt  }
0x78: {  	_ =	shalt  }
0x79: {  	_ =	shalt  }
0x7a: {  	_ =	shalt  }
0x7b: {  	_ =	shalt  }
0x7c: {  	_ =	shalt  }
0x7d: {  	_ =	shalt  }
0x7e: {  	_ =	shalt  }
0x7f: {  	_ =	shalt  }
0x80: {  	_ =	shalt  }
0x81: {  	_ =	shalt  }
0x82: {  	_ =	shalt  }
0x83: {  	_ =	shalt  }
0x84: {  	_ =	shalt  }
0x85: {  	_ =	shalt  }
0x86: {  	_ =	shalt  }
0x87: {  	_ =	shalt  }
.Lfunc_end0:
.L_simem_size_0:
called_computation_lowered:
.L_overlay_start_0:
0x88: {  	s2 =	sld [smem:$0x3FD9]  }
0x89: {  	s3 =	sld [smem:$0x3FFE];
	_ =	sdelay $0x1  }
0x8a: {  	s1 =	srdreg.scid  }
0x8b: {  	s0 =	sand.u32 $0x1, s1  }
0x8c: {  	s14 =	sshll.u32 s0, $0xA;
	s2 =	sadd.s32 s3, s2  }
0x8d: {  	s2 =	sadd.s32 s2, s14  }
0x8e: {  	[smem:$0x3FC6] =	sst s2  }
0x8f: {  	_ = 	snop  }
0x90: {  	s2 =	sld [smem:$0x3FD0];
	_ =	sdelay $0x2  }
0x91: {  	s4 =	simm.s32 $0xA;
	s5 =	simm.s32 $0x10;
	s15 =	sld [smem:$0x3FC8]  }
0x92: {  	[smem:s5], [sflag:s4] =	dma.local [hbm:s2], $0x1  }
0x93: {  	_ =	swait.eq [sflag:s4], $0x1  }
0x94: {  	[sflag:s4] =	ssyncset.done $0x0  }
0x95: {  	s16 =	sld [smem:$0x10];
	[sflag:s4] =	ssyncadd.s32 $0xFFFFFFFF  }
0x96: {  	s17 =	sld [smem:$0x13];
	(tm) =	ssettm $0x1  }
0x97: {  	s18 =	sld [smem:$0x3FFB];
	_ =	sdelay $0x3  }
0x98: {  	_ =	strace s18  }
0x99: {  	s5 =	sld [smem:$0x3FFC];
	_ =	sdelay $0x3  }
0x9a: {  	_ =	strace s5  }
0x9b: {  	s5 =	sld [smem:$0x3FFD];
	_ =	sdelay $0x3  }
0x9c: {  	_ =	strace s5  }
0x9d: {  	_ =	strace $0x8FFFFFFF  }
0x9e: {  	s19 =	sld [smem:$0x3FDB];
	_ =	sdelay $0x1  }
0x9f: {  	s6 =	simm.s32 $_scs_section_size  }
0xa0: {  	s7 =	simm.s32 $_size__tile_overlayer_lowered;
	s8 =	simm.s32 $_tile_overlayer_lowered  }
0xa1: {  	s22 =	simm.s32 $0x1BFF;
	s21 =	sshll.u32 s8, $0x1;
	s5 =	sadd.s32 s6, s19  }
0xa2: {  	s9 =	simm.s32 $0x0;
	s20 =	sshll.u32 s7, $0x1;
	s7 =	sadd.s32 s21, s5  }
0xa3: {  	[timem:s9], [sflag:s22] =	dma.local [hbm:s7], s20  }
0xa4: {  	_ =	swait.ge [sflag:s22], s20  }
0xa5: {  	s6 =	ssub.s32 $0x0, s20;
	[sflag:s22] =	ssyncset.done $0x0  }
0xa6: {  	[sflag:s22] =	ssyncadd.s32 s6;
	_ =	sdelay $0x1  }
0xa7: {  	s23 =	simm.s32 $0x1B8B  }
0xa8: {  	_ =	swait.ge [sflag:s23], $0x1  }
0xa9: {  	[sflag:s23] =	ssyncset.done $0x0  }
0xaa: {  	s25 =	simm.s32 $0x1B8E;
	s24 =	sld [smem:$0x3FFE];
	[sflag:s23] =	ssyncadd.s32 $0xFFFFFFFF  }
0xab: {  	s26 =	simm.s32 $execute0_lowered;
	[smem:$0x3FD2] =	sst s25  }
0xac: {  	s7 =	sshll.u32 s26, $0x1;
	_ =	strace $0x80000046;
	[dreg:$0x1] =	wrdreg $0xFFFFFFFF  }
0xad: {  	s28 =	simm.s32 $_size_execute0_lowered;
	s5 =	sadd.s32 s5, s7;
	[dreg:$0x0] =	wrdreg $0x0  }
0xae: {  	s7 =	sshll.u32 s28, $0x1;
	[dreg:$0x2] =	wrdreg s5  }
0xaf: {  	[dreg:$0x3] =	wrdreg s7  }
0xb0: {  	[dreg:$0x4] =	wrdreg $0xC0  }
0xb1: {  	_ =	task [dreg:s9], $0x5FFFF  }
0xb2: {  	[dreg:$0x1] =	wrdreg $0xFFFFFFFF  }
0xb3: {  	[dreg:$0x0] =	wrdreg $0x60  }
0xb4: {  	[dreg:$0x2] =	wrdreg s15  }
0xb5: {  	[dreg:$0x3] =	wrdreg s24  }
0xb6: {  	[dreg:$0x4] =	wrdreg s17  }
0xb7: {  	[dreg:$0x5] =	wrdreg s16  }
0xb8: {  	[dreg:$0x6] =	wrdreg $0x9  }
0xb9: {  	_ =	task.clear_ibuf [dreg:s9], $0x7FFFF;
	_ =	strace $0x90000046  }
0xba: {  	s29 =	simm.s32 $0x9;
	_ =	strace $0x80000048  }
0xbb: {  	_ =	swait.ge [sflag:s29], $0x1  }
0xbc: {  	[sflag:s29] =	ssyncadd.s32 $0xFFFFFFFF  }
0xbd: {  	_ =	strace $0x90000048  }
0xbe: {  	_ =	sfence  }
0xbf: {  	s30 =	sld [smem:$0x0];
	_ =	sdelay $0x2  }
0xc0: {  	s31 =	sshll.u32 s1, $0xD;
	s1 =	sshrl.u32 s1, $0x2  }
0xc1: {  	s3 =	sand.u32 $0x4000, s31;
	s1 =	sadd.s32 s1, s30  }
0xc2: {  	s0 =	sor.u32 s3, s0;
	s1 =	sshll.u32 s1, $0x11  }
0xc3: {  	s0 =	sor.u32 s1, s0  }
0xc4: {  	s0 =	sadd.s32 $0x8F2B, s0  }
0xc5: {  	[sflag:s0] =	ssyncadd.remote.s32 $0x1  }
0xc6: {  	_ =	sfence.sel $0xFFFF  }
0xc7: {  	[dreg:$0x0] =	wrdreg $0xFFFFFFFF;
	(pc) =	sbr.abs _section_cstart, $3  }
0xc8: {  	[dreg:$0x1] =	wrdreg $0xFFFFFFFF  }
0xc9: {  	_ =	task.clear_ibuf [dreg:s9], $0x2FFFF;
	_ =	strace $0x9FFFFFFF  }
0xca: {  	(tm) =	ssettm $0x7FFFFFFF  }
0xcb: {  	_ =	shalt  }
tec
execute0_lowered:
.L_overlay_start_1:
0x0: {  	(tag) =	ssettag $0x1  }
0x1: {  	s1 =	rddreg [dreg:$0x0]  }
0x2: {  	s0 =	rddreg [dreg:$0x1];
	s2 =	simm.s32 $0x0;
	s30 =	srdreg.scid  }
0x3: {  	s5 =	stileid.u32;
	s13 =	simm.s32 $0x3;
	s14 =	simm.s32 $0x80  }
0x4: {  	s12 =	simm.s32 $0x9880;
	s15 =	simm.s32 $0xB880;
	s16 =	simm.s32 $0x40  }
0x5: {  	s17 =	simm.s32 $0xC080;
	s18 =	simm.s32 $0xE080;
	s19 =	simm.s32 $0x1  }
0x6: {  	s20 =	simm.s32 $0x400;
	s21 =	simm.s32 $0xE100;
	s22 =	simm.s32 $0x2  }
0x7: {  	s23 =	simm.s32 $0x0;
	[smem:$0x7FF] =	sst s2;
	s6 =	sadd.s32 $0x13B600, s0  }
0x8: {  	s2 =	sand.u32 $0x1, s30;
	s7 =	sadd.s32 $0xE00, s0;
	s5 =	sshll.u32 s5, $0x5  }
0x9: {  	v2 =	vlaneseq.u32;
	s8 =	sadd.s32 $0x1E00, s0;
	s10 =	sadd.s32 $0x100, s1;
	s3 =	ssub.s32 $0x2, s2  }
0xa: {  	s11 =	sadd.s32 $0x200, s1;
	v0 =	vand.u32 $0x7, v2;
	v1 =	vshrl.u32 v2, $0x3;
	s2 =	sshll.u32 s2, $0x4;
	s4 =	sshrl.u32 s3, $0x1  }
0xb: {  	v63 =	vor.u32 $0x8, v2;
	_ =	strace $0x80000047;
	[tilespmem:$0x1FFD0] =	vst v0;
	v62 =	vmul.u32 $0x8, v1;
	s9 =	sor.u32 s2, s5;
	s31 =	ssub.s32 s3, s4  }
0xc: {  	[tilespmem:$0x1FFF0] =	vst v63;
	s5 =	simm.s32 $0x9080;
	s2 =	simm.s32 $0xA080;
	s0 =	smax.u32 s31, $0x1  }
0xd: {  	vm0 =	vmmov $0xffff;
	s3 =	simm.s32 $0xA880;
	s4 =	simm.s32 $0xB080;
	[tilespmem:$0x1FFE0] =	vst v62;
	[dreg:$0x5] =	wrdreg s0  }
.LBB2_1:
0xe: {  	[dreg:$0x6] =	wrdreg s23;
	s23 =	simm.s32 $0x0  }
.LBB2_2:
0xf: {  	s24 =	sadd.s32 s9, s23  }
0x10: {  	s25 =	sshll.u32 s24, $0x3  }
0x11: {  	s28 =	simm.s32 $0x0;
	s25 =	sadd.s32 s7, s25  }
0x12: {  	[tilespmem:s28], [sflag:$0x3] =	stream.linear.gather [hbm4b:s25+s28], $0x40, $0x38;
	[tilespmem:$0xE400] =	vst v63  }
0x13: {  	_ =	swait.ge [sflag:s13], $0x40  }
0x14: {  	[sflag:s13] =	ssyncset.done $0x0  }
0x15: {  	[sflag:s13] =	ssyncadd.s32 $0xFFFFFFC0  }
0x16: {  	v3 =	vld [tilespmem:$0x0];
	_ =	sdelay $0x3  }
0x17: {  	v0 =	vld [tilespmem:$0x1FFD0]  }
0x18: {  	v4 =	vshrl.u32 v3, $0x3  }
0x19: {  	v1 =	vld [tilespmem:$0x1FFE0];
	v4 =	vmul.u32 $0x30, v4  }
0x1a: {  	v3 =	vand.u32 $0x7, v3  }
0x1b: {  	v3 =	vor.u32 v3, v4  }
0x1c: {  	v4 =	vperm.xlane v3, v0  }
0x1d: {  	v2 =	vld [tilespmem:$0x1FFF0]  }
0x1e: {  	v4 =	vadd.s32 v1, v4;
	_ =	sdelay $0x3  }
0x1f: {  	v3 =	vperm.xlane v3, v2  }
0x20: {  	[tilespmem:s14], [sflag:$0x1] =	stream.indirect_vreg.gather [hbm4b:s1+s28], $0x80, v4, vm0, $0xb8;
	[tilespmem:$0xE400] =	vst v63  }
0x21: {  	s0 =	simm.s32 $0x880;
	v3 =	vadd.s32 v1, v3  }
0x22: {  	[tilespmem:s0], [sflag:$0x1] =	stream.indirect_vreg.gather [hbm4b:s10+s28], $0x80, v4, vm0, $0xb8;
	[tilespmem:$0xE400] =	vst v63  }
0x23: {  	s25 =	simm.s32 $0x1080  }
0x24: {  	[tilespmem:s25], [sflag:$0x1] =	stream.indirect_vreg.gather [hbm4b:s11+s28], $0x80, v4, vm0, $0xb8;
	[tilespmem:$0xE400] =	vst v63  }
0x25: {  	s26 =	simm.s32 $0x1880  }
0x26: {  	[tilespmem:s26], [sflag:$0x1] =	stream.indirect_vreg.gather [hbm4b:s1+s28], $0x80, v3, vm0, $0xb8;
	[tilespmem:$0xE400] =	vst v63  }
0x27: {  	s25 =	simm.s32 $0x2080  }
0x28: {  	[tilespmem:s25], [sflag:$0x1] =	stream.indirect_vreg.gather [hbm4b:s10+s28], $0x80, v3, vm0, $0xb8;
	[tilespmem:$0xE400] =	vst v63  }
0x29: {  	s26 =	simm.s32 $0x2880  }
0x2a: {  	[tilespmem:s26], [sflag:$0x1] =	stream.indirect_vreg.gather [hbm4b:s11+s28], $0x80, v3, vm0, $0xb8;
	[tilespmem:$0xE400] =	vst v63  }
0x2b: {  	v3 =	vld [tilespmem:$0x10];
	_ =	sdelay $0x4  }
0x2c: {  	v4 =	vshrl.u32 v3, $0x3  }
0x2d: {  	v4 =	vmul.u32 $0x30, v4  }
0x2e: {  	v3 =	vand.u32 $0x7, v3  }
0x2f: {  	v3 =	vor.u32 v3, v4  }
0x30: {  	v4 =	vperm.xlane v3, v0;
	_ =	sdelay $0x1  }
0x31: {  	v4 =	vadd.s32 v1, v4;
	_ =	sdelay $0x3  }
0x32: {  	s25 =	simm.s32 $0x3080;
	v3 =	vperm.xlane v3, v2  }
0x33: {  	[tilespmem:s25], [sflag:$0x1] =	stream.indirect_vreg.gather [hbm4b:s1+s28], $0x80, v4, vm0, $0xb8;
	[tilespmem:$0xE400] =	vst v63  }
0x34: {  	s26 =	simm.s32 $0x3880;
	v3 =	vadd.s32 v1, v3  }
0x35: {  	[tilespmem:s26], [sflag:$0x1] =	stream.indirect_vreg.gather [hbm4b:s10+s28], $0x80, v4, vm0, $0xb8;
	[tilespmem:$0xE400] =	vst v63  }
0x36: {  	s25 =	simm.s32 $0x4080  }
0x37: {  	[tilespmem:s25], [sflag:$0x1] =	stream.indirect_vreg.gather [hbm4b:s11+s28], $0x80, v4, vm0, $0xb8;
	[tilespmem:$0xE400] =	vst v63  }
0x38: {  	s26 =	simm.s32 $0x4880  }
0x39: {  	[tilespmem:s26], [sflag:$0x1] =	stream.indirect_vreg.gather [hbm4b:s1+s28], $0x80, v3, vm0, $0xb8;
	[tilespmem:$0xE400] =	vst v63  }
0x3a: {  	s25 =	simm.s32 $0x5080  }
0x3b: {  	[tilespmem:s25], [sflag:$0x1] =	stream.indirect_vreg.gather [hbm4b:s10+s28], $0x80, v3, vm0, $0xb8;
	[tilespmem:$0xE400] =	vst v63  }
0x3c: {  	s26 =	simm.s32 $0x5880  }
0x3d: {  	[tilespmem:s26], [sflag:$0x1] =	stream.indirect_vreg.gather [hbm4b:s11+s28], $0x80, v3, vm0, $0xb8;
	[tilespmem:$0xE400] =	vst v63  }
0x3e: {  	v3 =	vld [tilespmem:$0x20];
	_ =	sdelay $0x4  }
0x3f: {  	v4 =	vshrl.u32 v3, $0x3  }
0x40: {  	v4 =	vmul.u32 $0x30, v4  }
0x41: {  	v3 =	vand.u32 $0x7, v3  }
0x42: {  	v3 =	vor.u32 v3, v4  }
0x43: {  	v4 =	vperm.xlane v3, v0;
	_ =	sdelay $0x1  }
0x44: {  	v4 =	vadd.s32 v1, v4;
	_ =	sdelay $0x3  }
0x45: {  	s25 =	simm.s32 $0x6080;
	v3 =	vperm.xlane v3, v2  }
0x46: {  	[tilespmem:s25], [sflag:$0x1] =	stream.indirect_vreg.gather [hbm4b:s1+s28], $0x80, v4, vm0, $0xb8;
	[tilespmem:$0xE400] =	vst v63  }
0x47: {  	s26 =	simm.s32 $0x6880;
	v3 =	vadd.s32 v1, v3  }
0x48: {  	[tilespmem:s26], [sflag:$0x1] =	stream.indirect_vreg.gather [hbm4b:s10+s28], $0x80, v4, vm0, $0xb8;
	[tilespmem:$0xE400] =	vst v63  }
0x49: {  	s25 =	simm.s32 $0x7080  }
0x4a: {  	[tilespmem:s25], [sflag:$0x1] =	stream.indirect_vreg.gather [hbm4b:s11+s28], $0x80, v4, vm0, $0xb8;
	[tilespmem:$0xE400] =	vst v63  }
0x4b: {  	s26 =	simm.s32 $0x7880  }
0x4c: {  	[tilespmem:s26], [sflag:$0x1] =	stream.indirect_vreg.gather [hbm4b:s1+s28], $0x80, v3, vm0, $0xb8;
	[tilespmem:$0xE400] =	vst v63  }
0x4d: {  	s25 =	simm.s32 $0x8080  }
0x4e: {  	[tilespmem:s25], [sflag:$0x1] =	stream.indirect_vreg.gather [hbm4b:s10+s28], $0x80, v3, vm0, $0xb8;
	[tilespmem:$0xE400] =	vst v63  }
0x4f: {  	s26 =	simm.s32 $0x8880  }
0x50: {  	[tilespmem:s26], [sflag:$0x1] =	stream.indirect_vreg.gather [hbm4b:s11+s28], $0x80, v3, vm0, $0xb8;
	[tilespmem:$0xE400] =	vst v63  }
0x51: {  	v3 =	vld [tilespmem:$0x30];
	_ =	sdelay $0x4  }
0x52: {  	v4 =	vshrl.u32 v3, $0x3  }
0x53: {  	v4 =	vmul.u32 $0x30, v4  }
0x54: {  	v3 =	vand.u32 $0x7, v3  }
0x55: {  	v3 =	vor.u32 v3, v4  }
0x56: {  	v4 =	vperm.xlane v3, v0;
	_ =	sdelay $0x1  }
0x57: {  	v4 =	vadd.s32 v1, v4;
	_ =	sdelay $0x3  }
0x58: {  	v3 =	vperm.xlane v3, v2  }
0x59: {  	[tilespmem:s5], [sflag:$0x1] =	stream.indirect_vreg.gather [hbm4b:s1+s28], $0x80, v4, vm0, $0xb8;
	[tilespmem:$0xE400] =	vst v63  }
0x5a: {  	v3 =	vadd.s32 v1, v3  }
0x5b: {  	[tilespmem:s12], [sflag:$0x1] =	stream.indirect_vreg.gather [hbm4b:s10+s28], $0x80, v4, vm0, $0xb8;
	[tilespmem:$0xE400] =	vst v63  }
0x5c: {  	_ = 	snop  }
0x5d: {  	[tilespmem:s2], [sflag:$0x1] =	stream.indirect_vreg.gather [hbm4b:s11+s28], $0x80, v4, vm0, $0xb8;
	[tilespmem:$0xE400] =	vst v63  }
0x5e: {  	s0 =	sshll.u32 s23, $0x7;
	s26 =	sshrl.u32 s24, $0x3  }
0x5f: {  	[tilespmem:s3], [sflag:$0x1] =	stream.indirect_vreg.gather [hbm4b:s1+s28], $0x80, v3, vm0, $0xb8;
	[tilespmem:$0xE400] =	vst v63  }
0x60: {  	s25 =	sand.u32 $0x380, s0;
	s29 =	sshll.u32 s26, $0xA  }
0x61: {  	[tilespmem:s4], [sflag:$0x1] =	stream.indirect_vreg.gather [hbm4b:s10+s28], $0x80, v3, vm0, $0xb8;
	[tilespmem:$0xE400] =	vst v63  }
0x62: {  	s29 =	sor.u32 s25, s29  }
0x63: {  	[tilespmem:s15], [sflag:$0x1] =	stream.indirect_vreg.gather [hbm4b:s11+s28], $0x80, v3, vm0, $0xb8;
	[tilespmem:$0xE400] =	vst v63  }
0x64: {  	s0 =	rddreg [dreg:$0x2];
	s29 =	sshrl.u32 s29, $0x3  }
0x65: {  	[tilespmem:s17], [sflag:$0x2] =	stream.indirect.gather [hbm4b:s6+s16], $0x80, s28, s16, $0xb8;
	[tilespmem:$0xE400] =	vst v63  }
0x66: {  	s29 =	sadd.s32 s0, s29  }
0x67: {  	[tilespmem:s18], [sflag:$0x3] =	stream.linear.gather [hbm4b:s29+s28], $0x80, $0x38;
	[tilespmem:$0xE400] =	vst v63  }
0x68: {  	_ =	swait.ge [sflag:s13], $0x80  }
0x69: {  	s29 =	simm.s32 $0x0;
	[sflag:s13] =	ssyncset.done $0x0  }
0x6a: {  	s29 =	smul.u32 $0x6000, s29;
	[sflag:s13] =	ssyncadd.s32 $0xFFFFFF80  }
0x6b: {  	_ =	swait.ge [sflag:s19], $0xC000  }
0x6c: {  	s30 =	sand.u32 $0x380, s28;
	s29 =	sshra.s32 s29, $0x2;
	[sflag:s19] =	ssyncset.done $0x0  }
0x6d: {  	s29 =	sor.u32 s30, s29;
	[sflag:s19] =	ssyncadd.s32 $0xFFFF4000  }
0x6e: {  	v3 =	vld [tilespmem:s29+$0x14F0]  }
0x6f: {  	v5 =	vld [tilespmem:s29+$0x80]  }
0x70: {  	v6 =	vld [tilespmem:s29+$0x90]  }
0x71: {  	v7 =	vld [tilespmem:s29+$0xA0]  }
0x72: {  	v8 =	vld [tilespmem:s29+$0xB0]  }
0x73: {  	v9 =	vld [tilespmem:s29+$0xC0]  }
0x74: {  	v10 =	vld [tilespmem:s29+$0xD0]  }
0x75: {  	v11 =	vld [tilespmem:s29+$0xE0]  }
0x76: {  	v12 =	vld [tilespmem:s29+$0xF0]  }
0x77: {  	v13 =	vld [tilespmem:s29+$0x480]  }
0x78: {  	v14 =	vld [tilespmem:s29+$0x490]  }
0x79: {  	v15 =	vld [tilespmem:s29+$0x4A0]  }
0x7a: {  	v16 =	vld [tilespmem:s29+$0x4B0]  }
0x7b: {  	v17 =	vld [tilespmem:s29+$0x4C0]  }
0x7c: {  	v18 =	vld [tilespmem:s29+$0x4D0]  }
0x7d: {  	v19 =	vld [tilespmem:s29+$0x4E0]  }
0x7e: {  	v20 =	vld [tilespmem:s29+$0x4F0]  }
0x7f: {  	v21 =	vld [tilespmem:s29+$0x880]  }
0x80: {  	v22 =	vld [tilespmem:s29+$0x890]  }
0x81: {  	v23 =	vld [tilespmem:s29+$0x8A0]  }
0x82: {  	v24 =	vld [tilespmem:s29+$0x8B0]  }
0x83: {  	v25 =	vld [tilespmem:s29+$0x8C0]  }
0x84: {  	v4 =	vimm.f32 $0.0e+00;
	v26 =	vld [tilespmem:s29+$0x8D0]  }
0x85: {  	v27 =	vld [tilespmem:s29+$0x8E0];
	v3 =	vadd.f32 v3, v4  }
0x86: {  	v49 =	vadd.f32 v5, v4;
	v5 =	vld [tilespmem:s29+$0x8F0];
	v50 =	vadd.f32 v6, v4  }
0x87: {  	v48 =	vadd.f32 v7, v4;
	v6 =	vld [tilespmem:s29+$0xC80];
	v47 =	vadd.f32 v8, v4  }
0x88: {  	v46 =	vadd.f32 v9, v4;
	v7 =	vld [tilespmem:s29+$0xC90];
	v45 =	vadd.f32 v10, v4  }
0x89: {  	v44 =	vadd.f32 v11, v4;
	v8 =	vld [tilespmem:s29+$0xCA0];
	v43 =	vadd.f32 v12, v4  }
0x8a: {  	v42 =	vadd.f32 v13, v4;
	v9 =	vld [tilespmem:s29+$0xCB0];
	v41 =	vadd.f32 v14, v4  }
0x8b: {  	v40 =	vadd.f32 v15, v4;
	v10 =	vld [tilespmem:s29+$0xCC0];
	v39 =	vadd.f32 v16, v4  }
0x8c: {  	v38 =	vadd.f32 v17, v4;
	v11 =	vld [tilespmem:s29+$0xCD0];
	v37 =	vadd.f32 v18, v4  }
0x8d: {  	v36 =	vadd.f32 v19, v4;
	v12 =	vld [tilespmem:s29+$0xCE0];
	v35 =	vadd.f32 v20, v4  }
0x8e: {  	v34 =	vadd.f32 v21, v4;
	v13 =	vld [tilespmem:s29+$0xCF0];
	v33 =	vadd.f32 v22, v4  }
0x8f: {  	v32 =	vadd.f32 v23, v4;
	v14 =	vld [tilespmem:s29+$0x1080];
	v31 =	vadd.f32 v24, v4  }
0x90: {  	v30 =	vadd.f32 v25, v4;
	v15 =	vld [tilespmem:s29+$0x1090];
	v29 =	vadd.f32 v26, v4  }
0x91: {  	v28 =	vadd.f32 v27, v4;
	v16 =	vld [tilespmem:s29+$0x10A0];
	v27 =	vadd.f32 v5, v4  }
0x92: {  	v26 =	vadd.f32 v6, v4;
	v5 =	vld [tilespmem:s29+$0x10B0];
	v25 =	vadd.f32 v7, v4  }
0x93: {  	v24 =	vadd.f32 v8, v4;
	v6 =	vld [tilespmem:s29+$0x10C0];
	v23 =	vadd.f32 v9, v4  }
0x94: {  	v22 =	vadd.f32 v10, v4;
	v7 =	vld [tilespmem:s29+$0x10D0];
	v21 =	vadd.f32 v11, v4  }
0x95: {  	v20 =	vadd.f32 v12, v4;
	v19 =	vadd.f32 v13, v4  }
0x96: {  	v55 =	vld [tilespmem:s29+$0x10E0];
	v18 =	vadd.f32 v14, v4;
	v17 =	vadd.f32 v15, v4  }
0x97: {  	v54 =	vld [tilespmem:s29+$0x10F0];
	v16 =	vadd.f32 v16, v4;
	v13 =	vimm.f32 $0.0e+00;
	v11 =	vimm.f32 $0.0e+00  }
0x98: {  	v51 =	vld [tilespmem:s29+$0x1480];
	v10 =	vimm.f32 $0.0e+00;
	v9 =	vimm.f32 $0.0e+00;
	v15 =	vadd.f32 v5, v4  }
0x99: {  	v52 =	vld [tilespmem:s29+$0x1490];
	v8 =	vimm.f32 $0.0e+00;
	v14 =	vadd.f32 v6, v4;
	v12 =	vadd.f32 v7, v4  }
0x9a: {  	s31 =	simm.s32 $0x0;
	s30 =	simm.s32 $0x2;
	v53 =	vld [tilespmem:s29+$0x14A0];
	v7 =	vimm.f32 $0.0e+00;
	v6 =	vimm.f32 $0.0e+00;
	v5 =	vimm.f32 $0.0e+00  }
.LBB2_3:
0x9b: {  	p0 =	sne.s32 s30, $0x3F;
	s31 =	smul.u32 $0x6000, s31;
	v4 =	vadd.f32 v55, v4;
	v55 =	vld [tilespmem:s29+$0x14B0]  }
0x9c: {  	s28 =	sadd.s32 $0x80, s28;
	v13 =	vadd.f32 v54, v13;
	v54 =	vld [tilespmem:s29+$0x14C0]  }
0x9d: {  	s0 =	sand.u32 $0x380, s28;
	s31 =	sshra.s32 s31, $0x2;
	v11 =	vadd.f32 v51, v11;
	v51 =	vld [tilespmem:s29+$0x14D0]  }
0x9e: {  	v10 =	vadd.f32 v52, v10;
	v52 =	vld [tilespmem:s29+$0x14E0];
	s29 =	sor.u32 s0, s31  }
0x9f: {  	v56 =	vld [tilespmem:s29+$0x14F0];
	v9 =	vadd.f32 v53, v9  }
0xa0: {  	v53 =	vld [tilespmem:s29+$0x80];
	v7 =	vadd.f32 v55, v7  }
0xa1: {  	v55 =	vld [tilespmem:s29+$0x90];
	v8 =	vadd.f32 v54, v8  }
0xa2: {  	v54 =	vld [tilespmem:s29+$0xA0];
	v6 =	vadd.f32 v51, v6  }
0xa3: {  	v51 =	vld [tilespmem:s29+$0xB0];
	v5 =	vadd.f32 v52, v5  }
0xa4: {  	v52 =	vld [tilespmem:s29+$0xC0];
	v3 =	vadd.f32 v56, v3  }
0xa5: {  	v49 =	vadd.f32 v53, v49;
	v53 =	vld [tilespmem:s29+$0xD0]  }
0xa6: {  	v50 =	vadd.f32 v55, v50;
	v55 =	vld [tilespmem:s29+$0xE0]  }
0xa7: {  	v48 =	vadd.f32 v54, v48;
	v54 =	vld [tilespmem:s29+$0xF0]  }
0xa8: {  	v47 =	vadd.f32 v51, v47;
	v51 =	vld [tilespmem:s29+$0x480]  }
0xa9: {  	v46 =	vadd.f32 v52, v46;
	v52 =	vld [tilespmem:s29+$0x490]  }
0xaa: {  	v45 =	vadd.f32 v53, v45;
	v53 =	vld [tilespmem:s29+$0x4A0]  }
0xab: {  	v44 =	vadd.f32 v55, v44;
	v55 =	vld [tilespmem:s29+$0x4B0]  }
0xac: {  	v43 =	vadd.f32 v54, v43;
	v54 =	vld [tilespmem:s29+$0x4C0]  }
0xad: {  	v42 =	vadd.f32 v51, v42;
	v51 =	vld [tilespmem:s29+$0x4D0]  }
0xae: {  	v41 =	vadd.f32 v52, v41;
	v52 =	vld [tilespmem:s29+$0x4E0]  }
0xaf: {  	v40 =	vadd.f32 v53, v40;
	v53 =	vld [tilespmem:s29+$0x4F0]  }
0xb0: {  	v39 =	vadd.f32 v55, v39;
	v55 =	vld [tilespmem:s29+$0x880]  }
0xb1: {  	v38 =	vadd.f32 v54, v38;
	v54 =	vld [tilespmem:s29+$0x890]  }
0xb2: {  	v37 =	vadd.f32 v51, v37;
	v51 =	vld [tilespmem:s29+$0x8A0]  }
0xb3: {  	v36 =	vadd.f32 v52, v36;
	v52 =	vld [tilespmem:s29+$0x8B0]  }
0xb4: {  	v35 =	vadd.f32 v53, v35;
	v53 =	vld [tilespmem:s29+$0x8C0]  }
0xb5: {  	v34 =	vadd.f32 v55, v34;
	v55 =	vld [tilespmem:s29+$0x8D0]  }
0xb6: {  	v33 =	vadd.f32 v54, v33;
	v54 =	vld [tilespmem:s29+$0x8E0]  }
0xb7: {  	v32 =	vadd.f32 v51, v32;
	v51 =	vld [tilespmem:s29+$0x8F0]  }
0xb8: {  	v31 =	vadd.f32 v52, v31;
	v52 =	vld [tilespmem:s29+$0xC80]  }
0xb9: {  	v30 =	vadd.f32 v53, v30;
	v53 =	vld [tilespmem:s29+$0xC90]  }
0xba: {  	v29 =	vadd.f32 v55, v29;
	v55 =	vld [tilespmem:s29+$0xCA0]  }
0xbb: {  	v28 =	vadd.f32 v54, v28;
	v54 =	vld [tilespmem:s29+$0xCB0]  }
0xbc: {  	v27 =	vadd.f32 v51, v27;
	v51 =	vld [tilespmem:s29+$0xCC0]  }
0xbd: {  	v26 =	vadd.f32 v52, v26;
	v52 =	vld [tilespmem:s29+$0xCD0]  }
0xbe: {  	v25 =	vadd.f32 v53, v25;
	v53 =	vld [tilespmem:s29+$0xCE0]  }
0xbf: {  	v24 =	vadd.f32 v55, v24;
	v55 =	vld [tilespmem:s29+$0xCF0]  }
0xc0: {  	v23 =	vadd.f32 v54, v23;
	v54 =	vld [tilespmem:s29+$0x1080]  }
0xc1: {  	v22 =	vadd.f32 v51, v22;
	v51 =	vld [tilespmem:s29+$0x1090]  }
0xc2: {  	v21 =	vadd.f32 v52, v21;
	v52 =	vld [tilespmem:s29+$0x10A0]  }
0xc3: {  	v20 =	vadd.f32 v53, v20;
	v53 =	vld [tilespmem:s29+$0x10B0]  }
0xc4: {  	v19 =	vadd.f32 v55, v19;
	v56 =	vld [tilespmem:s29+$0x10C0]  }
0xc5: {  	v18 =	vadd.f32 v54, v18;
	v57 =	vld [tilespmem:s29+$0x10D0]  }
.Ltmp0:
0xc6: {  	v17 =	vadd.f32 v51, v17;
	v55 =	vld [tilespmem:s29+$0x10E0];
	(pc) =	sbr.rel @p0 .LBB2_3-.Ltmp0, $4  }
0xc7: {  	v16 =	vadd.f32 v52, v16;
	v54 =	vld [tilespmem:s29+$0x10F0]  }
0xc8: {  	v15 =	vadd.f32 v53, v15;
	v51 =	vld [tilespmem:s29+$0x1480]  }
0xc9: {  	v14 =	vadd.f32 v56, v14;
	v52 =	vld [tilespmem:s29+$0x1490]  }
0xca: {  	s31 =	sshrl.u32 s30, $0x3;
	s30 =	sadd.s32 $0x1, s30;
	v12 =	vadd.f32 v57, v12;
	v53 =	vld [tilespmem:s29+$0x14A0]  }
0xcb: {  	s0 =	smul.u32 $0x6000, s31  }
0xcc: {  	s28 =	sadd.s32 $0x80, s28  }
0xcd: {  	s28 =	sand.u32 $0x380, s28;
	s0 =	sshra.s32 s0, $0x2  }
0xce: {  	s0 =	sor.u32 s28, s0  }
0xcf: {  	v63 =	vld [tilespmem:s0+$0x4A0];
	_ =	sdelay $0x4  }
0xd0: {  	[tilespmem:$0x1FD70] =	vst v63;
	v63 =	vld [tilespmem:s0+$0x4B0];
	_ =	sdelay $0x4  }
0xd1: {  	[tilespmem:$0x1FD80] =	vst v63;
	v63 =	vld [tilespmem:s0+$0x4C0];
	_ =	sdelay $0x4  }
0xd2: {  	[tilespmem:$0x1FD90] =	vst v63;
	v63 =	vld [tilespmem:s0+$0x4D0];
	_ =	sdelay $0x4  }
0xd3: {  	[tilespmem:$0x1FDA0] =	vst v63;
	v63 =	vld [tilespmem:s0+$0x4E0];
	_ =	sdelay $0x4  }
0xd4: {  	[tilespmem:$0x1FDB0] =	vst v63;
	v63 =	vld [tilespmem:s0+$0x4F0];
	_ =	sdelay $0x4  }
0xd5: {  	[tilespmem:$0x1FDC0] =	vst v63;
	v63 =	vld [tilespmem:s0+$0x880];
	_ =	sdelay $0x4  }
0xd6: {  	[tilespmem:$0x1FDD0] =	vst v63;
	v63 =	vld [tilespmem:s0+$0x890];
	_ =	sdelay $0x4  }
0xd7: {  	[tilespmem:$0x1FDE0] =	vst v63;
	v63 =	vld [tilespmem:s0+$0x8A0];
	_ =	sdelay $0x4  }
0xd8: {  	[tilespmem:$0x1FDF0] =	vst v63;
	v63 =	vld [tilespmem:s0+$0x8B0];
	_ =	sdelay $0x4  }
0xd9: {  	[tilespmem:$0x1FE00] =	vst v63;
	v63 =	vld [tilespmem:s0+$0x8C0];
	_ =	sdelay $0x4  }
0xda: {  	[tilespmem:$0x1FE10] =	vst v63;
	v63 =	vld [tilespmem:s0+$0x8D0];
	_ =	sdelay $0x4  }
0xdb: {  	[tilespmem:$0x1FE20] =	vst v63;
	v63 =	vld [tilespmem:s0+$0x8E0];
	_ =	sdelay $0x4  }
0xdc: {  	[tilespmem:$0x1FE30] =	vst v63;
	v63 =	vld [tilespmem:s0+$0x8F0];
	_ =	sdelay $0x4  }
0xdd: {  	[tilespmem:$0x1FE40] =	vst v63;
	v63 =	vld [tilespmem:s0+$0xC80];
	_ =	sdelay $0x4  }
0xde: {  	[tilespmem:$0x1FE50] =	vst v63;
	v63 =	vld [tilespmem:s0+$0xC90];
	_ =	sdelay $0x4  }
0xdf: {  	[tilespmem:$0x1FE60] =	vst v63;
	v63 =	vld [tilespmem:s0+$0xCA0];
	_ =	sdelay $0x4  }
0xe0: {  	[tilespmem:$0x1FE70] =	vst v63;
	v63 =	vld [tilespmem:s0+$0xCB0];
	_ =	sdelay $0x4  }
0xe1: {  	[tilespmem:$0x1FE80] =	vst v63;
	v63 =	vld [tilespmem:s0+$0xCC0];
	_ =	sdelay $0x4  }
0xe2: {  	[tilespmem:$0x1FE90] =	vst v63;
	v63 =	vld [tilespmem:s0+$0xCD0];
	_ =	sdelay $0x4  }
0xe3: {  	[tilespmem:$0x1FEA0] =	vst v63;
	v63 =	vld [tilespmem:s0+$0xCE0];
	_ =	sdelay $0x4  }
0xe4: {  	[tilespmem:$0x1FEB0] =	vst v63;
	v63 =	vld [tilespmem:s0+$0xCF0];
	_ =	sdelay $0x4  }
0xe5: {  	[tilespmem:$0x1FEC0] =	vst v63;
	v63 =	vld [tilespmem:s0+$0x1080];
	_ =	sdelay $0x4  }
0xe6: {  	[tilespmem:$0x1FED0] =	vst v63;
	v63 =	vld [tilespmem:s0+$0x1090];
	_ =	sdelay $0x4  }
0xe7: {  	[tilespmem:$0x1FEE0] =	vst v63;
	v63 =	vld [tilespmem:s0+$0x10A0];
	_ =	sdelay $0x4  }
0xe8: {  	[tilespmem:$0x1FEF0] =	vst v63;
	v63 =	vld [tilespmem:s0+$0x10B0];
	_ =	sdelay $0x4  }
0xe9: {  	[tilespmem:$0x1FF00] =	vst v63;
	v63 =	vld [tilespmem:s0+$0x10C0];
	_ =	sdelay $0x3  }
0xea: {  	v0 =	vld [tilespmem:s29+$0x14B0]  }
0xeb: {  	[tilespmem:$0x1FF10] =	vst v63;
	v63 =	vld [tilespmem:s0+$0x10D0];
	_ =	sdelay $0x3  }
0xec: {  	[tilespmem:$0x1FF60] =	vst v0;
	v0 =	vld [tilespmem:s29+$0x14C0]  }
0xed: {  	[tilespmem:$0x1FF20] =	vst v63;
	v63 =	vld [tilespmem:s0+$0x10E0];
	_ =	sdelay $0x3  }
0xee: {  	[tilespmem:$0x1FF80] =	vst v0;
	v0 =	vld [tilespmem:s29+$0x14D0]  }
0xef: {  	[tilespmem:$0x1FF30] =	vst v63;
	v63 =	vld [tilespmem:s0+$0x10F0];
	_ =	sdelay $0x1  }
0xf0: {  	v61 =	vld [tilespmem:s0+$0x80]  }
0xf1: {  	v2 =	vld [tilespmem:s0+$0xA0]  }
0xf2: {  	[tilespmem:$0x1FFA0] =	vst v0;
	v0 =	vld [tilespmem:s29+$0x14E0]  }
0xf3: {  	[tilespmem:$0x1FF40] =	vst v63;
	v63 =	vld [tilespmem:s0+$0x1480]  }
0xf4: {  	v1 =	vld [tilespmem:s0+$0xB0]  }
0xf5: {  	v56 =	vld [tilespmem:s0+$0xC0]  }
0xf6: {  	v57 =	vld [tilespmem:s0+$0xD0]  }
0xf7: {  	[tilespmem:$0x1FFB0] =	vst v0;
	v0 =	vld [tilespmem:s0+$0x14F0]  }
0xf8: {  	[tilespmem:$0x1FF50] =	vst v63;
	v63 =	vld [tilespmem:s0+$0x1490]  }
0xf9: {  	v58 =	vld [tilespmem:s0+$0xE0]  }
0xfa: {  	v59 =	vld [tilespmem:s0+$0xF0]  }
0xfb: {  	v60 =	vld [tilespmem:s0+$0x480]  }
0xfc: {  	[tilespmem:$0x1FFC0] =	vst v0;
	v0 =	vld [tilespmem:s0+$0x90]  }
0xfd: {  	[tilespmem:$0x1FF70] =	vst v63;
	v63 =	vld [tilespmem:s0+$0x14A0]  }
0xfe: {  	v62 =	vld [tilespmem:s0+$0x490]  }
0xff: {  	v49 =	vadd.f32 v61, v49;
	v61 =	vld [tilespmem:s0+$0x14B0];
	v2 =	vadd.f32 v2, v48  }
0x100: {  	v48 =	vld [tilespmem:s0+$0x14D0]  }
0x101: {  	v1 =	vadd.f32 v1, v47;
	v47 =	vld [tilespmem:s0+$0x14E0];
	v46 =	vadd.f32 v56, v46;
	v2 =	vmul.f32 $1.562500000e-02, v2  }
0x102: {  	v49 =	vmul.f32 $1.562500000e-02, v49;
	v50 =	vadd.f32 v0, v50;
	[tilespmem:$0x1FF90] =	vst v63;
	v63 =	vld [tilespmem:$0x1FD70]  }
0x103: {  	v44 =	vadd.f32 v58, v44;
	v0 =	vld [tilespmem:s0+$0x14C0];
	[tilespmem:$0xE120] =	vst v2;
	v2 =	vmul.f32 $1.562500000e-02, v46  }
0x104: {  	v50 =	vmul.f32 $1.562500000e-02, v50;
	[tilespmem:$0xE100] =	vst v49;
	v46 =	vld [tilespmem:$0x1FD90]  }
0x105: {  	v42 =	vadd.f32 v60, v42;
	[tilespmem:$0xE140] =	vst v2;
	v2 =	vmul.f32 $1.562500000e-02, v44  }
0x106: {  	v45 =	vadd.f32 v57, v45;
	v1 =	vmul.f32 $1.562500000e-02, v1;
	[tilespmem:$0xE110] =	vst v50;
	v50 =	vld [tilespmem:$0x1FDB0]  }
0x107: {  	v57 =	vld [tilespmem:$0x1FDD0];
	[tilespmem:$0xE160] =	vst v2;
	v2 =	vmul.f32 $1.562500000e-02, v42;
	v40 =	vadd.f32 v63, v40  }
0x108: {  	v43 =	vadd.f32 v59, v43;
	[tilespmem:$0xE130] =	vst v1;
	v1 =	vmul.f32 $1.562500000e-02, v45;
	v45 =	vld [tilespmem:$0x1FD80]  }
0x109: {  	v38 =	vadd.f32 v46, v38;
	[tilespmem:$0xE180] =	vst v2;
	v2 =	vmul.f32 $1.562500000e-02, v40  }
0x10a: {  	v41 =	vadd.f32 v62, v41;
	v49 =	vld [tilespmem:$0x1FDA0];
	[tilespmem:$0xE150] =	vst v1;
	v1 =	vmul.f32 $1.562500000e-02, v43  }
0x10b: {  	v59 =	vld [tilespmem:$0x1FDF0];
	v36 =	vadd.f32 v50, v36;
	[tilespmem:$0xE1A0] =	vst v2;
	v2 =	vmul.f32 $1.562500000e-02, v38  }
0x10c: {  	v56 =	vld [tilespmem:$0x1FDC0];
	[tilespmem:$0xE170] =	vst v1;
	v1 =	vmul.f32 $1.562500000e-02, v41  }
0x10d: {  	v34 =	vadd.f32 v57, v34;
	v62 =	vld [tilespmem:$0x1FE10];
	v39 =	vadd.f32 v45, v39;
	[tilespmem:$0xE1C0] =	vst v2;
	v2 =	vmul.f32 $1.562500000e-02, v36  }
0x10e: {  	v58 =	vld [tilespmem:$0x1FDE0];
	[tilespmem:$0xE190] =	vst v1  }
0x10f: {  	v37 =	vadd.f32 v49, v37;
	v1 =	vmul.f32 $1.562500000e-02, v39;
	[tilespmem:$0xE1E0] =	vst v2;
	v2 =	vmul.f32 $1.562500000e-02, v34;
	v34 =	vld [tilespmem:$0x1FE30]  }
0x110: {  	v32 =	vadd.f32 v59, v32;
	v60 =	vld [tilespmem:$0x1FE00]  }
0x111: {  	v35 =	vadd.f32 v56, v35;
	[tilespmem:$0xE1B0] =	vst v1;
	v1 =	vmul.f32 $1.562500000e-02, v37;
	v36 =	vld [tilespmem:$0x1FE50]  }
0x112: {  	v30 =	vadd.f32 v62, v30;
	v63 =	vld [tilespmem:$0x1FE20];
	[tilespmem:$0xE200] =	vst v2;
	v2 =	vmul.f32 $1.562500000e-02, v32  }
0x113: {  	v33 =	vadd.f32 v58, v33;
	[tilespmem:$0xE1D0] =	vst v1;
	v1 =	vmul.f32 $1.562500000e-02, v35;
	v38 =	vld [tilespmem:$0x1FE70]  }
0x114: {  	v35 =	vld [tilespmem:$0x1FE40];
	[tilespmem:$0xE220] =	vst v2;
	v2 =	vmul.f32 $1.562500000e-02, v30;
	v28 =	vadd.f32 v34, v28  }
0x115: {  	v31 =	vadd.f32 v60, v31;
	v40 =	vld [tilespmem:$0x1FE90];
	[tilespmem:$0xE1F0] =	vst v1;
	v1 =	vmul.f32 $1.562500000e-02, v33  }
0x116: {  	v37 =	vld [tilespmem:$0x1FE60];
	v26 =	vadd.f32 v36, v26;
	[tilespmem:$0xE240] =	vst v2;
	v2 =	vmul.f32 $1.562500000e-02, v28  }
0x117: {  	v42 =	vld [tilespmem:$0x1FEB0];
	v29 =	vadd.f32 v63, v29;
	[tilespmem:$0xE210] =	vst v1;
	v1 =	vmul.f32 $1.562500000e-02, v31  }
0x118: {  	v39 =	vld [tilespmem:$0x1FE80];
	v24 =	vadd.f32 v38, v24;
	[tilespmem:$0xE260] =	vst v2;
	v2 =	vmul.f32 $1.562500000e-02, v26  }
0x119: {  	v44 =	vld [tilespmem:$0x1FED0];
	v27 =	vadd.f32 v35, v27;
	[tilespmem:$0xE230] =	vst v1;
	v1 =	vmul.f32 $1.562500000e-02, v29  }
0x11a: {  	v41 =	vld [tilespmem:$0x1FEA0];
	v22 =	vadd.f32 v40, v22;
	[tilespmem:$0xE280] =	vst v2;
	v2 =	vmul.f32 $1.562500000e-02, v24  }
0x11b: {  	v46 =	vld [tilespmem:$0x1FEF0];
	v25 =	vadd.f32 v37, v25;
	[tilespmem:$0xE250] =	vst v1;
	v1 =	vmul.f32 $1.562500000e-02, v27  }
0x11c: {  	v43 =	vld [tilespmem:$0x1FEC0];
	v20 =	vadd.f32 v42, v20;
	[tilespmem:$0xE2A0] =	vst v2;
	v2 =	vmul.f32 $1.562500000e-02, v22  }
0x11d: {  	v50 =	vld [tilespmem:$0x1FF10];
	v23 =	vadd.f32 v39, v23;
	[tilespmem:$0xE270] =	vst v1;
	v1 =	vmul.f32 $1.562500000e-02, v25  }
0x11e: {  	v45 =	vld [tilespmem:$0x1FEE0];
	v18 =	vadd.f32 v44, v18;
	[tilespmem:$0xE2C0] =	vst v2;
	v2 =	vmul.f32 $1.562500000e-02, v20  }
0x11f: {  	v4 =	vadd.f32 v55, v4;
	v55 =	vld [tilespmem:$0x1FF30];
	v21 =	vadd.f32 v41, v21;
	[tilespmem:$0xE290] =	vst v1;
	v1 =	vmul.f32 $1.562500000e-02, v23  }
0x120: {  	v49 =	vld [tilespmem:$0x1FF00];
	v16 =	vadd.f32 v46, v16;
	[tilespmem:$0xE2E0] =	vst v2;
	v2 =	vmul.f32 $1.562500000e-02, v18  }
0x121: {  	v57 =	vld [tilespmem:$0x1FF50];
	v19 =	vadd.f32 v43, v19;
	[tilespmem:$0xE2B0] =	vst v1;
	v1 =	vmul.f32 $1.562500000e-02, v21  }
0x122: {  	v13 =	vadd.f32 v54, v13;
	v54 =	vld [tilespmem:$0x1FF20];
	v14 =	vadd.f32 v50, v14;
	[tilespmem:$0xE300] =	vst v2;
	v2 =	vmul.f32 $1.562500000e-02, v16  }
0x123: {  	v60 =	vld [tilespmem:$0x1FF90];
	v17 =	vadd.f32 v45, v17;
	[tilespmem:$0xE2D0] =	vst v1;
	v1 =	vmul.f32 $1.562500000e-02, v19  }
0x124: {  	v11 =	vadd.f32 v51, v11;
	v4 =	vadd.f32 v55, v4;
	v56 =	vld [tilespmem:$0x1FF40];
	[tilespmem:$0xE320] =	vst v2;
	v2 =	vmul.f32 $1.562500000e-02, v14  }
0x125: {  	v58 =	vld [tilespmem:$0x1FF70];
	v15 =	vadd.f32 v49, v15;
	[tilespmem:$0xE2F0] =	vst v1;
	v1 =	vmul.f32 $1.562500000e-02, v17  }
0x126: {  	v9 =	vadd.f32 v53, v9;
	v11 =	vadd.f32 v57, v11;
	[tilespmem:$0xE340] =	vst v2;
	v2 =	vmul.f32 $1.562500000e-02, v4;
	v4 =	vld [tilespmem:$0x1FF60]  }
0x127: {  	v59 =	vld [tilespmem:$0x1FF80];
	v12 =	vadd.f32 v54, v12;
	[tilespmem:$0xE310] =	vst v1;
	v1 =	vmul.f32 $1.562500000e-02, v15  }
0x128: {  	v62 =	vld [tilespmem:$0x1FFA0];
	v9 =	vadd.f32 v60, v9;
	[tilespmem:$0xE360] =	vst v2;
	v2 =	vmul.f32 $1.562500000e-02, v11  }
0x129: {  	v10 =	vadd.f32 v52, v10;
	v13 =	vadd.f32 v56, v13;
	v63 =	vld [tilespmem:$0x1FFB0];
	[tilespmem:$0xE330] =	vst v1;
	v1 =	vmul.f32 $1.562500000e-02, v12  }
0x12a: {  	[tilespmem:$0xE380] =	vst v2;
	v2 =	vmul.f32 $1.562500000e-02, v9  }
0x12b: {  	[tilespmem:$0xE350] =	vst v1;
	v1 =	vmul.f32 $1.562500000e-02, v13;
	v4 =	vadd.f32 v4, v7;
	v7 =	vadd.f32 v58, v10  }
0x12c: {  	v8 =	vadd.f32 v59, v8;
	[tilespmem:$0xE3A0] =	vst v2;
	v2 =	vld [tilespmem:$0x1FFC0]  }
0x12d: {  	v6 =	vadd.f32 v62, v6;
	[tilespmem:$0xE370] =	vst v1;
	v4 =	vadd.f32 v61, v4;
	v1 =	vmul.f32 $1.562500000e-02, v7  }
0x12e: {  	v0 =	vadd.f32 v0, v8;
	v5 =	vadd.f32 v63, v5  }
0x12f: {  	v6 =	vadd.f32 v48, v6;
	[tilespmem:$0xE390] =	vst v1;
	v1 =	vmul.f32 $1.562500000e-02, v4  }
0x130: {  	v0 =	vmul.f32 $1.562500000e-02, v0;
	v4 =	vadd.f32 v47, v5  }
0x131: {  	s30 =	smul.u32 $0x1800, s26;
	v2 =	vadd.f32 v2, v3;
	[tilespmem:$0xE3B0] =	vst v1;
	v1 =	vmul.f32 $1.562500000e-02, v6  }
0x132: {  	[tilespmem:$0xE3C0] =	vst v0;
	v0 =	vmul.f32 $1.562500000e-02, v4  }
0x133: {  	s0 =	sor.u32 s25, s30;
	[tilespmem:$0xE3D0] =	vst v1;
	v1 =	vmul.f32 $1.562500000e-02, v2  }
0x134: {  	s31 =	rddreg [dreg:$0x3];
	s0 =	sshrl.u32 s0, $0x3;
	[tilespmem:$0xE3E0] =	vst v0  }
0x135: {  	s0 =	sadd.s32 s31, s0;
	[tilespmem:$0xE3F0] =	vst v1  }
0x136: {  	[hbm4b:s0+s14] =	stream.strided.scatter [tilespmem:s21], [sflag:$0x3], $0x300, s20, s14, $0x38;
	[tilespmem:$0xE400] =	vst v63  }
0x137: {  	_ =	swait.ge [sflag:s13], $0x300  }
0x138: {  	[sflag:s13] =	ssyncset.done $0x0  }
0x139: {  	[sflag:s13] =	ssyncadd.s32 $0xFFFFFD00  }
0x13a: {  	_ =	swait.ge [sflag:s22], $0x2000  }
0x13b: {  	[sflag:s22] =	ssyncset.done $0x0  }
0x13c: {  	[sflag:s22] =	ssyncadd.s32 $0xFFFFE000  }
0x13d: {  	s26 =	simm.s32 $0x200;
	s25 =	simm.s32 $0x0;
	v3 =	vld [tilespmem:$0xE080]  }
.LBB2_5:
0x13e: {  	p0 =	sne.s32 s26, $0x7E00;
	v0 =	vld [tilespmem:s25+$0xC080];
	_ =	sdelay $0x2  }
.Ltmp1:
0x13f: {  	(pc) =	sbr.rel @p0 .LBB2_5-.Ltmp1, $3  }
0x140: {  	_ = 	snop  }
0x141: {  	v0 =	vsub.f32 v0, v3;
	_ =	sdelay $0x1  }
0x142: {  	[tilespmem:s25+$0xC080] =	vst v0;
	s25 =	sshra.s32 s26, $0x2;
	s26 =	sadd.s32 $0x200, s26  }
0x143: {  	v0 =	vld [tilespmem:s25+$0xC080];
	_ =	sdelay $0x4  }
0x144: {  	s23 =	sadd.s32 $0x1, s23;
	v0 =	vsub.f32 v0, v3  }
0x145: {  	s0 =	sshll.u32 s24, $0xA;
	p0 =	sne.s32 s23, $0x10  }
.Ltmp2:
0x146: {  	s31 =	simm.s32 $0x0;
	s0 =	sadd.s32 s8, s0;
	[tilespmem:s25+$0xC080] =	vst v0;
	(pc) =	sbr.rel @p0 .LBB2_2-.Ltmp2, $4  }
0x147: {  	[hbm4b:s0+s31] =	stream.linear.scatter [tilespmem:s17], [sflag:$0x3], $0x2000, $0x38;
	[tilespmem:$0xE400] =	vst v63  }
0x148: {  	_ =	swait.ge [sflag:s13], $0x2000  }
0x149: {  	[sflag:s13] =	ssyncset.done $0x0  }
0x14a: {  	[sflag:s13] =	ssyncadd.s32 $0xFFFFE000  }
0x14b: {  	s23 =	rddreg [dreg:$0x6]  }
0x14c: {  	s0 =	rddreg [dreg:$0x5];
	s23 =	sadd.s32 $0x1, s23  }
0x14d: {  	p0 =	sne.s32 s23, s0  }
.Ltmp3:
0x14e: {  	_ = 	snop;
	(pc) =	sbr.rel @p0 .LBB2_1-.Ltmp3, $1  }
0x14f: {  	_ =	sdelay $0x3  }
0x150: {  	_ =	sfence.sel $0x180000  }
0x151: {  	[bflag:$0x0] =	sbarrier.arrive $0xFFFF  }
0x152: {  	_ =	strace $0x90000047  }
0x153: {  	s0 =	stileid.u32;
	[bflag:$0x2] =	sbarrier.arrive $0xFFFF  }
0x154: {  	p0 =	sne.s32 s0, $0x0;
	s0 =	rddreg [dreg:$0x4]  }
0x155: {  	s0 =	sadd.s32 @!p0 $0x100000, s0  }
0x156: {  	[sflag:s0] =	ssyncadd.tile.s32 @!p0 $0x1;
	_ =	shalt  }
.Lfunc_end2:
_tile_overlayer_lowered:
.L_overlay_start_2:
0x157: {  	(tag) =	ssettag $0x2  }
0x158: {  	s0 =	rddreg [dreg:$0x0];
	s2 =	stileid.u32  }
0x159: {  	s1 =	rddreg [dreg:$0x1];
	p0 =	sne.s32 s2, $0x0  }
0x15a: {  	s3 =	rddreg [dreg:$0x2];
	[bflag:$0x3] =	sbarrier.arrive $0xFFFF;
	s2 =	simm.s32 @!p0 $0x1C03  }
0x15b: {  	[timem:s3], [sflag:s2] =	dma.local @!p0 [hbm:s0], s1  }
0x15c: {  	s0 =	simm.s32 @!p0 $0x3  }
0x15d: {  	_ =	swait.ge @!p0 [sflag:s0], s1  }
0x15e: {  	s1 =	ssub.s32 @!p0 $0x0, s1;
	[sflag:s0] =	ssyncset.done @!p0 $0x0  }
0x15f: {  	[sflag:s0] =	ssyncadd.s32 @!p0 s1  }
0x160: {  	[bflag:$0x3] =	sbarrier.arrive $0xFFFF  }
0x161: {  	_ =	shalt  }

</sc_bundles>
